<compile_context>
chip_gen: v7x
topology: tpu7x:2x2x1
jax: 0.10.2.dev20260603
libtpu: 0.0.44.dev20260713+nightly
codegen_flags: <defaults>
</compile_context>

<pallas_src>
import functools

import jax
import jax.numpy as jnp
from jax import lax
from jax.experimental import pallas as pl
from jax.experimental.pallas import tpu as pltpu
from jax.experimental.pallas import tpu_sc as plsc

B, TGT, SRC, H, V = 4, 256, 2048, 768, 1000

NC, NS = 2, 16
NW = NC * NS
WPB = NW // B
ROWS = TGT // WPB
LANES = 16


@functools.partial(
    pl.kernel,
    out_type=jax.ShapeDtypeStruct((B, TGT, V), jnp.float32),
    mesh=plsc.VectorSubcoreMesh(
        core_axis_name="c", subcore_axis_name="s",
        num_cores=NC, num_subcores=NS,
    ),
    compiler_params=pltpu.CompilerParams(
        needs_layout_passes=False, use_tc_tiling_on_sc=True),
    scratch_types=[
        pltpu.VMEM((SRC,), jnp.int32),
        pltpu.VMEM((ROWS, SRC), jnp.float32),
        pltpu.VMEM((ROWS, V), jnp.float32),
        pltpu.SemaphoreType.DMA,
        pltpu.SemaphoreType.DMA,
        pltpu.SemaphoreType.DMA,
        pltpu.SemaphoreType.DMA,
        pltpu.SemaphoreType.DMA,
    ],
)
def _sc_logits(ids_hbm, attn_hbm, out_hbm, ids_v, attn_v, acc_v,
               sem_a0, sem_a1, sem_a2, sem_a3, sem_o):
    wid = lax.axis_index("s") * NC + lax.axis_index("c")
    b = wid // WPB
    t0 = (wid % WPB) * ROWS

    pltpu.sync_copy(ids_hbm.at[b], ids_v)

    CH = 4
    RPC = ROWS // CH
    sems = [sem_a0, sem_a1, sem_a2, sem_a3]
    loads = [
        pltpu.async_copy(
            attn_hbm.at[pl.ds(b * TGT + t0 + c * RPC, RPC)],
            attn_v.at[pl.ds(c * RPC, RPC)], sems[c])
        for c in range(CH)
    ]

    ZUNROLL = 8
    NZC = V // (LANES * ZUNROLL) + 1

    def zero_body(i, _):
        r = i // NZC
        c = i % NZC
        for u in range(ZUNROLL):
            col = c * (LANES * ZUNROLL) + u * LANES
            acc_v[r, pl.ds(jnp.minimum(col, V - LANES), LANES)] = (
                jnp.zeros((LANES,), jnp.float32))
        return 0

    lax.fori_loop(0, ROWS * NZC, zero_body, 0)

    stores = []
    for c in range(CH):
        loads[c].wait()

        def j_body(j, _, c=c):
            idv = ids_v[pl.ds(j * LANES, LANES)]
            for r8 in range(RPC):
                r = c * RPC + r8
                vals = attn_v[r, pl.ds(j * LANES, LANES)]
                plsc.addupdate_scatter(
                    acc_v, [jnp.full((LANES,), r, jnp.int32), idv], vals)
            return 0

        lax.fori_loop(0, SRC // LANES, j_body, 0)
        stores.append(pltpu.async_copy(
            acc_v.at[pl.ds(c * RPC, RPC)],
            out_hbm.at[b, pl.ds(t0 + c * RPC, RPC)], sem_o))

    for st in stores:
        st.wait()


SRC_TILE = 512
NK = SRC // SRC_TILE


def _pgen_body(attn_ref, src_ref, tgt_ref, w1_ref, w2_ref, bias_ref,
               out_ref, ctx_ref):
    k = pl.program_id(1)

    @pl.when(k == 0)
    def _():
        ctx_ref[...] = jnp.zeros_like(ctx_ref)

    ctx_ref[...] += jnp.dot(attn_ref[0], src_ref[0],
                            preferred_element_type=jnp.float32)

    @pl.when(k == NK - 1)
    def _():
        z = (jnp.dot(ctx_ref[...], w1_ref[...],
                     preferred_element_type=jnp.float32)
             + jnp.dot(tgt_ref[0], w2_ref[...],
                       preferred_element_type=jnp.float32)
             + bias_ref[0, 0])
        out_ref[0, 0] = jax.nn.sigmoid(z)[:, 0]


_pgen_call = pl.pallas_call(
    _pgen_body,
    grid=(B, NK),
    in_specs=[
        pl.BlockSpec((1, TGT, SRC_TILE), lambda b, k: (b, 0, k)),
        pl.BlockSpec((1, SRC_TILE, H), lambda b, k: (b, k, 0)),
        pl.BlockSpec((1, TGT, H), lambda b, k: (b, 0, 0)),
        pl.BlockSpec((H, 1), lambda b, k: (0, 0)),
        pl.BlockSpec((H, 1), lambda b, k: (0, 0)),
        pl.BlockSpec((1, 1), lambda b, k: (0, 0)),
    ],
    out_specs=pl.BlockSpec((1, 1, TGT), lambda b, k: (b, 0, 0)),
    out_shape=jax.ShapeDtypeStruct((B, 1, TGT), jnp.float32),
    scratch_shapes=[pltpu.VMEM((TGT, H), jnp.float32)],
)


def kernel(input_ids_to_copy, cross_attentions, src_hidden_states,
           tgt_hidden_states, w_pgen, b_pgen):
    ids2d = input_ids_to_copy.astype(jnp.int32)
    attn2d = cross_attentions.reshape(B * TGT, SRC)

    logits = _sc_logits(ids2d, attn2d)

    w1 = w_pgen[:H]
    w2 = w_pgen[H:]
    p_gen = _pgen_call(
        cross_attentions, src_hidden_states, tgt_hidden_states,
        w1, w2, b_pgen.reshape(1, 1),
    ).reshape(B, TGT, 1)

    return (p_gen, logits)

# --- scband reference (transcript-rebuilt; emitter-appended) ---
"""Pipeline reference for scband-copy-mech-module-33827162423501 (READ-ONLY COPY).

The authoritative reference and input builder live on the scoring server;
editing this copy changes nothing except your own understanding.
"""

import jax, jax.numpy as jnp
import numpy as np

B, TGT, SRC, H, V = 4, 256, 2048, 768, 1000


def setup_inputs(seed: int = 0) -> dict:
    key = jax.random.key(seed)
    k1, k2, k3, k4, k5 = jax.random.split(key, 5)
    input_ids_to_copy = jax.random.randint(k1, (B, SRC), 0, V, dtype=jnp.int64 if jax.config.jax_enable_x64 else jnp.int32)
    cross_attentions = jax.random.uniform(k2, (B, TGT, SRC), dtype=jnp.float32)
    src_hidden_states = jax.random.normal(k3, (B, SRC, H), dtype=jnp.float32)
    tgt_hidden_states = jax.random.normal(k4, (B, TGT, H), dtype=jnp.float32)
    # p_gen_head: Linear(2H -> 1) followed by sigmoid
    w_pgen = jax.random.normal(k5, (2 * H, 1), dtype=jnp.float32) * 0.02
    b_pgen = jnp.zeros((1,), dtype=jnp.float32)
    return {
        "input_ids_to_copy": input_ids_to_copy,
        "cross_attentions": cross_attentions,
        "src_hidden_states": src_hidden_states,
        "tgt_hidden_states": tgt_hidden_states,
        "w_pgen": w_pgen,
        "b_pgen": b_pgen,
    }


def reference(input_ids_to_copy, cross_attentions, src_hidden_states, tgt_hidden_states, w_pgen, b_pgen):
    batch_size, seq_length = input_ids_to_copy.shape
    # context_vectors = cross_attentions @ src_hidden_states  -> [B, TGT, H]
    context_vectors = jnp.einsum('bts,bsh->bth', cross_attentions, src_hidden_states)
    # total_states = cat(context, tgt_hidden) -> [B, TGT, 2H]
    total_states = jnp.concatenate([context_vectors, tgt_hidden_states], axis=-1)
    # p_gen = sigmoid(Linear(total_states)) -> [B, TGT, 1]
    p_gen = jax.nn.sigmoid(total_states @ w_pgen + b_pgen)
    # scatter 1s into one-hot [B, SRC, V]
    b_idx = jnp.arange(batch_size)[:, None]
    s_idx = jnp.arange(seq_length)[None, :]
    input_one_hot = jnp.zeros((batch_size, seq_length, V), dtype=jnp.float32).at[b_idx, s_idx, input_ids_to_copy].set(1.0)
    # logits = cross_attentions @ one_hot -> [B, TGT, V]
    logits = jnp.einsum('bts,bsv->btv', cross_attentions, input_one_hot)
    return (p_gen, logits)

if __name__ == "__main__":
    import jax
    _d = setup_inputs()
    print(jax.jit(kernel)(*tuple(_d.values())))

</pallas_src>

<mosaic_0001>
#map = affine_map<(d0, d1) -> (0, 0)>
#map1 = affine_map<(d0, d1) -> (0, 0, 0)>
module attributes {stable_mosaic.version = 14 : i64} {
  func.func @_sc_logits(%arg0: i32, %arg1: i32, %arg2: memref<4x2048xi32, #tpu.memory_space<hbm>>, %arg3: memref<1024x2048xf32, #tpu.memory_space<hbm>>, %arg4: memref<4x256x1000xf32, #tpu.memory_space<hbm>>, %arg5: memref<2048xi32, #tpu.memory_space<vmem>>, %arg6: memref<32x2048xf32, #tpu.memory_space<vmem>>, %arg7: memref<32x1000xf32, #tpu.memory_space<vmem>>, %arg8: memref<!tpu.dma_semaphore, #tpu.memory_space<semaphore_mem>>, %arg9: memref<!tpu.dma_semaphore, #tpu.memory_space<semaphore_mem>>, %arg10: memref<!tpu.dma_semaphore, #tpu.memory_space<semaphore_mem>>, %arg11: memref<!tpu.dma_semaphore, #tpu.memory_space<semaphore_mem>>, %arg12: memref<!tpu.dma_semaphore, #tpu.memory_space<semaphore_mem>>) attributes {dimension_semantics = [#tpu.dimension_semantics<core_parallel>, #tpu.dimension_semantics<subcore_parallel>], iteration_bounds = array<i64: 2, 16>, scalar_prefetch = 0 : i64, scratch_operands = 8 : i64, tpu.core_type = #tpu.core_type<sc_vector_subcore>, window_params = [{transform_indices = #map}, {transform_indices = #map}, {transform_indices = #map1}]} {
    %mul3A = arith.constant 2 : i32
    %mul3A_0 = arith.muli %arg1, %mul3A : i32
    %add3A = arith.addi %mul3A_0, %arg0 : i32
    %jit3A = arith.constant 8 : i32
    %div3A = arith.divsi %add3A, %jit3A : i32
    %sign3A = arith.constant 0 : i32
    %sign3A_1 = arith.cmpi sgt, %add3A, %sign3A : i32
    %sign3A_2 = arith.extui %sign3A_1 : i1 to i32
    %sign3A_3 = arith.constant 0 : i32
    %sign3A_4 = arith.cmpi slt, %add3A, %sign3A_3 : i32
    %sign3A_5 = arith.extui %sign3A_4 : i1 to i32
    %sign3A_6 = arith.subi %sign3A_2, %sign3A_5 : i32
    %sign3A_7 = arith.constant 0 : i32
    %sign3A_8 = arith.cmpi sgt, %jit3A, %sign3A_7 : i32
    %sign3A_9 = arith.extui %sign3A_8 : i1 to i32
    %sign3A_10 = arith.constant 0 : i32
    %sign3A_11 = arith.cmpi slt, %jit3A, %sign3A_10 : i32
    %sign3A_12 = arith.extui %sign3A_11 : i1 to i32
    %sign3A_13 = arith.subi %sign3A_9, %sign3A_12 : i32
    %ne3A = arith.cmpi ne, %sign3A_6, %sign3A_13 : i32
    %rem3A = arith.remsi %add3A, %jit3A : i32
    %ne3A_14 = arith.constant 0 : i32
    %ne3A_15 = arith.cmpi ne, %rem3A, %ne3A_14 : i32
    %and3A = arith.andi %ne3A, %ne3A_15 : i1
    %sub3A = arith.constant 1 : i32
    %sub3A_16 = arith.subi %div3A, %sub3A : i32
    %select_n3A = arith.select %and3A, %sub3A_16, %div3A : i32
    %jit3A_17 = arith.constant 8 : i32
    %eq3A = arith.constant 0 : i32
    %eq3A_18 = arith.cmpi eq, %jit3A_17, %eq3A : i32
    %jit3A_19 = arith.constant 1 : i32
    %select_n3A_20 = arith.select %eq3A_18, %jit3A_19, %jit3A_17 : i32
    %rem3A_21 = arith.remsi %add3A, %select_n3A_20 : i32
    %ne3A_22 = arith.constant 0 : i32
    %ne3A_23 = arith.cmpi ne, %rem3A_21, %ne3A_22 : i32
    %lt3A = arith.constant 0 : i32
    %lt3A_24 = arith.cmpi slt, %rem3A_21, %lt3A : i32
    %lt3A_25 = arith.constant 0 : i32
    %lt3A_26 = arith.cmpi slt, %select_n3A_20, %lt3A_25 : i32
    %ne3A_27 = arith.xori %lt3A_24, %lt3A_26 : i1
    %and3A_28 = arith.andi %ne3A_27, %ne3A_23 : i1
    %add3A_29 = arith.addi %rem3A_21, %select_n3A_20 : i32
    %select_n3A_30 = arith.select %and3A_28, %add3A_29, %rem3A_21 : i32
    %mul3A_31 = arith.constant 32 : i32
    %mul3A_32 = arith.muli %select_n3A_30, %mul3A_31 : i32
    "tpu.region"() ({
      %run_scoped3A = tpu.sem_alloc : memref<!tpu.dma_semaphore, #tpu.memory_space<semaphore_mem>>
      %dma_start3A_269 = arith.constant 0 : i32
      %dma_start3A_270 = tpu.memref_slice %arg2[%select_n3A, %dma_start3A_269] : memref<4x2048xi32, #tpu.memory_space<hbm>> -> memref<1x2048xi32, #tpu.memory_space<hbm>>
      %dma_start3A_271 = tpu.memref_squeeze %dma_start3A_270 : memref<1x2048xi32, #tpu.memory_space<hbm>> -> memref<2048xi32, #tpu.memory_space<hbm>>
      %dma_start3A_272 = arith.constant 0 : i32
      %dma_start3A_273 = tpu.memref_slice %arg2[%select_n3A, %dma_start3A_272] : memref<4x2048xi32, #tpu.memory_space<hbm>> -> memref<1x2048xi32, #tpu.memory_space<hbm>>
      %dma_start3A_274 = tpu.memref_squeeze %dma_start3A_273 : memref<1x2048xi32, #tpu.memory_space<hbm>> -> memref<2048xi32, #tpu.memory_space<hbm>>
      tpu.enqueue_dma source(%dma_start3A_274 : memref<2048xi32, #tpu.memory_space<hbm>>) target(%arg5 : memref<2048xi32, #tpu.memory_space<vmem>>) target_semaphore(%run_scoped3A : memref<!tpu.dma_semaphore, #tpu.memory_space<semaphore_mem>>)
      %dma_wait3A_275 = arith.constant 0 : i32
      %dma_wait3A_276 = tpu.memref_slice %arg2[%select_n3A, %dma_wait3A_275] : memref<4x2048xi32, #tpu.memory_space<hbm>> -> memref<1x2048xi32, #tpu.memory_space<hbm>>
      %dma_wait3A_277 = tpu.memref_squeeze %dma_wait3A_276 : memref<1x2048xi32, #tpu.memory_space<hbm>> -> memref<2048xi32, #tpu.memory_space<hbm>>
      %dma_wait3A_278 = arith.constant 0 : i32
      %dma_wait3A_279 = tpu.memref_slice %arg2[%select_n3A, %dma_wait3A_278] : memref<4x2048xi32, #tpu.memory_space<hbm>> -> memref<1x2048xi32, #tpu.memory_space<hbm>>
      %dma_wait3A_280 = tpu.memref_squeeze %dma_wait3A_279 : memref<1x2048xi32, #tpu.memory_space<hbm>> -> memref<2048xi32, #tpu.memory_space<hbm>>
      tpu.wait_dma2 semaphore(%run_scoped3A : memref<!tpu.dma_semaphore, #tpu.memory_space<semaphore_mem>>) src(%dma_wait3A_280 : memref<2048xi32, #tpu.memory_space<hbm>>) dst(%arg5 : memref<2048xi32, #tpu.memory_space<vmem>>)
      tpu.yield
    }) : () -> ()
    %mul3A_33 = arith.constant 256 : i32
    %mul3A_34 = arith.muli %select_n3A, %mul3A_33 : i32
    %add3A_35 = arith.addi %mul3A_34, %mul3A_32 : i32
    %add3A_36 = arith.constant 0 : i32
    %add3A_37 = arith.addi %add3A_35, %add3A_36 : i32
    %dma_start3A = arith.constant 0 : i32
    %dma_start3A_38 = arith.constant 0 : i32
    %dma_start3A_39 = tpu.memref_slice %arg6[%dma_start3A, %dma_start3A_38] : memref<32x2048xf32, #tpu.memory_space<vmem>> -> memref<8x2048xf32, #tpu.memory_space<vmem>>
    %dma_start3A_40 = arith.constant 0 : i32
    %dma_start3A_41 = tpu.memref_slice %arg3[%add3A_37, %dma_start3A_40] : memref<1024x2048xf32, #tpu.memory_space<hbm>> -> memref<8x2048xf32, #tpu.memory_space<hbm>>
    %dma_start3A_42 = arith.constant 0 : i32
    %dma_start3A_43 = arith.constant 0 : i32
    %dma_start3A_44 = tpu.memref_slice %arg6[%dma_start3A_42, %dma_start3A_43] : memref<32x2048xf32, #tpu.memory_space<vmem>> -> memref<8x2048xf32, #tpu.memory_space<vmem>>
    %dma_start3A_45 = arith.constant 0 : i32
    %dma_start3A_46 = tpu.memref_slice %arg3[%add3A_37, %dma_start3A_45] : memref<1024x2048xf32, #tpu.memory_space<hbm>> -> memref<8x2048xf32, #tpu.memory_space<hbm>>
    tpu.enqueue_dma source(%dma_start3A_46 : memref<8x2048xf32, #tpu.memory_space<hbm>>) target(%dma_start3A_44 : memref<8x2048xf32, #tpu.memory_space<vmem>>) target_semaphore(%arg8 : memref<!tpu.dma_semaphore, #tpu.memory_space<semaphore_mem>>)
    %mul3A_47 = arith.constant 256 : i32
    %mul3A_48 = arith.muli %select_n3A, %mul3A_47 : i32
    %add3A_49 = arith.addi %mul3A_48, %mul3A_32 : i32
    %add3A_50 = arith.constant 8 : i32
    %add3A_51 = arith.addi %add3A_49, %add3A_50 : i32
    %dma_start3A_52 = arith.constant 8 : i32
    %dma_start3A_53 = arith.constant 0 : i32
    %dma_start3A_54 = tpu.memref_slice %arg6[%dma_start3A_52, %dma_start3A_53] : memref<32x2048xf32, #tpu.memory_space<vmem>> -> memref<8x2048xf32, #tpu.memory_space<vmem>>
    %dma_start3A_55 = arith.constant 0 : i32
    %dma_start3A_56 = tpu.memref_slice %arg3[%add3A_51, %dma_start3A_55] : memref<1024x2048xf32, #tpu.memory_space<hbm>> -> memref<8x2048xf32, #tpu.memory_space<hbm>>
    %dma_start3A_57 = arith.constant 8 : i32
    %dma_start3A_58 = arith.constant 0 : i32
    %dma_start3A_59 = tpu.memref_slice %arg6[%dma_start3A_57, %dma_start3A_58] : memref<32x2048xf32, #tpu.memory_space<vmem>> -> memref<8x2048xf32, #tpu.memory_space<vmem>>
    %dma_start3A_60 = arith.constant 0 : i32
    %dma_start3A_61 = tpu.memref_slice %arg3[%add3A_51, %dma_start3A_60] : memref<1024x2048xf32, #tpu.memory_space<hbm>> -> memref<8x2048xf32, #tpu.memory_space<hbm>>
    tpu.enqueue_dma source(%dma_start3A_61 : memref<8x2048xf32, #tpu.memory_space<hbm>>) target(%dma_start3A_59 : memref<8x2048xf32, #tpu.memory_space<vmem>>) target_semaphore(%arg9 : memref<!tpu.dma_semaphore, #tpu.memory_space<semaphore_mem>>)
    %mul3A_62 = arith.constant 256 : i32
    %mul3A_63 = arith.muli %select_n3A, %mul3A_62 : i32
    %add3A_64 = arith.addi %mul3A_63, %mul3A_32 : i32
    %add3A_65 = arith.constant 16 : i32
    %add3A_66 = arith.addi %add3A_64, %add3A_65 : i32
    %dma_start3A_67 = arith.constant 16 : i32
    %dma_start3A_68 = arith.constant 0 : i32
    %dma_start3A_69 = tpu.memref_slice %arg6[%dma_start3A_67, %dma_start3A_68] : memref<32x2048xf32, #tpu.memory_space<vmem>> -> memref<8x2048xf32, #tpu.memory_space<vmem>>
    %dma_start3A_70 = arith.constant 0 : i32
    %dma_start3A_71 = tpu.memref_slice %arg3[%add3A_66, %dma_start3A_70] : memref<1024x2048xf32, #tpu.memory_space<hbm>> -> memref<8x2048xf32, #tpu.memory_space<hbm>>
    %dma_start3A_72 = arith.constant 16 : i32
    %dma_start3A_73 = arith.constant 0 : i32
    %dma_start3A_74 = tpu.memref_slice %arg6[%dma_start3A_72, %dma_start3A_73] : memref<32x2048xf32, #tpu.memory_space<vmem>> -> memref<8x2048xf32, #tpu.memory_space<vmem>>
    %dma_start3A_75 = arith.constant 0 : i32
    %dma_start3A_76 = tpu.memref_slice %arg3[%add3A_66, %dma_start3A_75] : memref<1024x2048xf32, #tpu.memory_space<hbm>> -> memref<8x2048xf32, #tpu.memory_space<hbm>>
    tpu.enqueue_dma source(%dma_start3A_76 : memref<8x2048xf32, #tpu.memory_space<hbm>>) target(%dma_start3A_74 : memref<8x2048xf32, #tpu.memory_space<vmem>>) target_semaphore(%arg10 : memref<!tpu.dma_semaphore, #tpu.memory_space<semaphore_mem>>)
    %mul3A_77 = arith.constant 256 : i32
    %mul3A_78 = arith.muli %select_n3A, %mul3A_77 : i32
    %add3A_79 = arith.addi %mul3A_78, %mul3A_32 : i32
    %add3A_80 = arith.constant 24 : i32
    %add3A_81 = arith.addi %add3A_79, %add3A_80 : i32
    %dma_start3A_82 = arith.constant 24 : i32
    %dma_start3A_83 = arith.constant 0 : i32
    %dma_start3A_84 = tpu.memref_slice %arg6[%dma_start3A_82, %dma_start3A_83] : memref<32x2048xf32, #tpu.memory_space<vmem>> -> memref<8x2048xf32, #tpu.memory_space<vmem>>
    %dma_start3A_85 = arith.constant 0 : i32
    %dma_start3A_86 = tpu.memref_slice %arg3[%add3A_81, %dma_start3A_85] : memref<1024x2048xf32, #tpu.memory_space<hbm>> -> memref<8x2048xf32, #tpu.memory_space<hbm>>
    %dma_start3A_87 = arith.constant 24 : i32
    %dma_start3A_88 = arith.constant 0 : i32
    %dma_start3A_89 = tpu.memref_slice %arg6[%dma_start3A_87, %dma_start3A_88] : memref<32x2048xf32, #tpu.memory_space<vmem>> -> memref<8x2048xf32, #tpu.memory_space<vmem>>
    %dma_start3A_90 = arith.constant 0 : i32
    %dma_start3A_91 = tpu.memref_slice %arg3[%add3A_81, %dma_start3A_90] : memref<1024x2048xf32, #tpu.memory_space<hbm>> -> memref<8x2048xf32, #tpu.memory_space<hbm>>
    tpu.enqueue_dma source(%dma_start3A_91 : memref<8x2048xf32, #tpu.memory_space<hbm>>) target(%dma_start3A_89 : memref<8x2048xf32, #tpu.memory_space<vmem>>) target_semaphore(%arg11 : memref<!tpu.dma_semaphore, #tpu.memory_space<semaphore_mem>>)
    %scan3A = arith.constant 0 : i32
    %scan3A_92 = arith.constant 0 : i32
    %scan3A_93 = arith.constant 256 : i32
    %scan3A_94 = arith.addi %scan3A_92, %scan3A_93 : i32
    %scan3A_95 = arith.constant 1 : i32
    %scan3A_96 = scf.for %scan3A_269 = %scan3A_92 to %scan3A_94 step %scan3A_95 iter_args(%scan3A_270 = %scan3A) -> (i32)  : i32 {
      %jit3A_271 = arith.constant 8 : i32
      %div3A_272 = arith.divsi %scan3A_269, %jit3A_271 : i32
      %sign3A_273 = arith.constant 0 : i32
      %sign3A_274 = arith.cmpi sgt, %scan3A_269, %sign3A_273 : i32
      %sign3A_275 = arith.extui %sign3A_274 : i1 to i32
      %sign3A_276 = arith.constant 0 : i32
      %sign3A_277 = arith.cmpi slt, %scan3A_269, %sign3A_276 : i32
      %sign3A_278 = arith.extui %sign3A_277 : i1 to i32
      %sign3A_279 = arith.subi %sign3A_275, %sign3A_278 : i32
      %sign3A_280 = arith.constant 0 : i32
      %sign3A_281 = arith.cmpi sgt, %jit3A_271, %sign3A_280 : i32
      %sign3A_282 = arith.extui %sign3A_281 : i1 to i32
      %sign3A_283 = arith.constant 0 : i32
      %sign3A_284 = arith.cmpi slt, %jit3A_271, %sign3A_283 : i32
      %sign3A_285 = arith.extui %sign3A_284 : i1 to i32
      %sign3A_286 = arith.subi %sign3A_282, %sign3A_285 : i32
      %ne3A_287 = arith.cmpi ne, %sign3A_279, %sign3A_286 : i32
      %rem3A_288 = arith.remsi %scan3A_269, %jit3A_271 : i32
      %ne3A_289 = arith.constant 0 : i32
      %ne3A_290 = arith.cmpi ne, %rem3A_288, %ne3A_289 : i32
      %and3A_291 = arith.andi %ne3A_287, %ne3A_290 : i1
      %sub3A_292 = arith.constant 1 : i32
      %sub3A_293 = arith.subi %div3A_272, %sub3A_292 : i32
      %select_n3A_294 = arith.select %and3A_291, %sub3A_293, %div3A_272 : i32
      %jit3A_295 = arith.constant 8 : i32
      %eq3A_296 = arith.constant 0 : i32
      %eq3A_297 = arith.cmpi eq, %jit3A_295, %eq3A_296 : i32
      %jit3A_298 = arith.constant 1 : i32
      %select_n3A_299 = arith.select %eq3A_297, %jit3A_298, %jit3A_295 : i32
      %rem3A_300 = arith.remsi %scan3A_269, %select_n3A_299 : i32
      %ne3A_301 = arith.constant 0 : i32
      %ne3A_302 = arith.cmpi ne, %rem3A_300, %ne3A_301 : i32
      %lt3A_303 = arith.constant 0 : i32
      %lt3A_304 = arith.cmpi slt, %rem3A_300, %lt3A_303 : i32
      %lt3A_305 = arith.constant 0 : i32
      %lt3A_306 = arith.cmpi slt, %select_n3A_299, %lt3A_305 : i32
      %ne3A_307 = arith.xori %lt3A_304, %lt3A_306 : i1
      %and3A_308 = arith.andi %ne3A_307, %ne3A_302 : i1
      %add3A_309 = arith.addi %rem3A_300, %select_n3A_299 : i32
      %select_n3A_310 = arith.select %and3A_308, %add3A_309, %rem3A_300 : i32
      %mul3A_311 = arith.constant 128 : i32
      %mul3A_312 = arith.muli %select_n3A_310, %mul3A_311 : i32
      %add3A_313 = arith.constant 0 : i32
      %add3A_314 = arith.addi %mul3A_312, %add3A_313 : i32
      %broadcast_in_dim3A = arith.constant 0.000000e+00 : f32
      %broadcast_in_dim3A_315 = vector.broadcast %broadcast_in_dim3A : f32 to vector<16xf32>
      %min3A = arith.constant 984 : i32
      %min3A_316 = arith.minsi %add3A_314, %min3A : i32
      %swap3A = arith.index_cast %select_n3A_294 : i32 to index
      %swap3A_317 = arith.index_cast %min3A_316 : i32 to index
      %swap3A_318 = tpu.vector_load %arg7[%swap3A, %swap3A_317] {strides = array<i32>} : memref<32x1000xf32, #tpu.memory_space<vmem>>, vector<16xf32>,
      tpu.vector_store %arg7[%swap3A, %swap3A_317], %broadcast_in_dim3A_315 {strides = array<i32>} : memref<32x1000xf32, #tpu.memory_space<vmem>>, vector<16xf32>,
      %mul3A_319 = arith.constant 128 : i32
      %mul3A_320 = arith.muli %select_n3A_310, %mul3A_319 : i32
      %add3A_321 = arith.constant 16 : i32
      %add3A_322 = arith.addi %mul3A_320, %add3A_321 : i32
      %broadcast_in_dim3A_323 = arith.constant 0.000000e+00 : f32
      %broadcast_in_dim3A_324 = vector.broadcast %broadcast_in_dim3A_323 : f32 to vector<16xf32>
      %min3A_325 = arith.constant 984 : i32
      %min3A_326 = arith.minsi %add3A_322, %min3A_325 : i32
      %swap3A_327 = arith.index_cast %select_n3A_294 : i32 to index
      %swap3A_328 = arith.index_cast %min3A_326 : i32 to index
      %swap3A_329 = tpu.vector_load %arg7[%swap3A_327, %swap3A_328] {strides = array<i32>} : memref<32x1000xf32, #tpu.memory_space<vmem>>, vector<16xf32>,
      tpu.vector_store %arg7[%swap3A_327, %swap3A_328], %broadcast_in_dim3A_324 {strides = array<i32>} : memref<32x1000xf32, #tpu.memory_space<vmem>>, vector<16xf32>,
      %mul3A_330 = arith.constant 128 : i32
      %mul3A_331 = arith.muli %select_n3A_310, %mul3A_330 : i32
      %add3A_332 = arith.constant 32 : i32
      %add3A_333 = arith.addi %mul3A_331, %add3A_332 : i32
      %broadcast_in_dim3A_334 = arith.constant 0.000000e+00 : f32
      %broadcast_in_dim3A_335 = vector.broadcast %broadcast_in_dim3A_334 : f32 to vector<16xf32>
      %min3A_336 = arith.constant 984 : i32
      %min3A_337 = arith.minsi %add3A_333, %min3A_336 : i32
      %swap3A_338 = arith.index_cast %select_n3A_294 : i32 to index
      %swap3A_339 = arith.index_cast %min3A_337 : i32 to index
      %swap3A_340 = tpu.vector_load %arg7[%swap3A_338, %swap3A_339] {strides = array<i32>} : memref<32x1000xf32, #tpu.memory_space<vmem>>, vector<16xf32>,
      tpu.vector_store %arg7[%swap3A_338, %swap3A_339], %broadcast_in_dim3A_335 {strides = array<i32>} : memref<32x1000xf32, #tpu.memory_space<vmem>>, vector<16xf32>,
      %mul3A_341 = arith.constant 128 : i32
      %mul3A_342 = arith.muli %select_n3A_310, %mul3A_341 : i32
      %add3A_343 = arith.constant 48 : i32
      %add3A_344 = arith.addi %mul3A_342, %add3A_343 : i32
      %broadcast_in_dim3A_345 = arith.constant 0.000000e+00 : f32
      %broadcast_in_dim3A_346 = vector.broadcast %broadcast_in_dim3A_345 : f32 to vector<16xf32>
      %min3A_347 = arith.constant 984 : i32
      %min3A_348 = arith.minsi %add3A_344, %min3A_347 : i32
      %swap3A_349 = arith.index_cast %select_n3A_294 : i32 to index
      %swap3A_350 = arith.index_cast %min3A_348 : i32 to index
      %swap3A_351 = tpu.vector_load %arg7[%swap3A_349, %swap3A_350] {strides = array<i32>} : memref<32x1000xf32, #tpu.memory_space<vmem>>, vector<16xf32>,
      tpu.vector_store %arg7[%swap3A_349, %swap3A_350], %broadcast_in_dim3A_346 {strides = array<i32>} : memref<32x1000xf32, #tpu.memory_space<vmem>>, vector<16xf32>,
      %mul3A_352 = arith.constant 128 : i32
      %mul3A_353 = arith.muli %select_n3A_310, %mul3A_352 : i32
      %add3A_354 = arith.constant 64 : i32
      %add3A_355 = arith.addi %mul3A_353, %add3A_354 : i32
      %broadcast_in_dim3A_356 = arith.constant 0.000000e+00 : f32
      %broadcast_in_dim3A_357 = vector.broadcast %broadcast_in_dim3A_356 : f32 to vector<16xf32>
      %min3A_358 = arith.constant 984 : i32
      %min3A_359 = arith.minsi %add3A_355, %min3A_358 : i32
      %swap3A_360 = arith.index_cast %select_n3A_294 : i32 to index
      %swap3A_361 = arith.index_cast %min3A_359 : i32 to index
      %swap3A_362 = tpu.vector_load %arg7[%swap3A_360, %swap3A_361] {strides = array<i32>} : memref<32x1000xf32, #tpu.memory_space<vmem>>, vector<16xf32>,
      tpu.vector_store %arg7[%swap3A_360, %swap3A_361], %broadcast_in_dim3A_357 {strides = array<i32>} : memref<32x1000xf32, #tpu.memory_space<vmem>>, vector<16xf32>,
      %mul3A_363 = arith.constant 128 : i32
      %mul3A_364 = arith.muli %select_n3A_310, %mul3A_363 : i32
      %add3A_365 = arith.constant 80 : i32
      %add3A_366 = arith.addi %mul3A_364, %add3A_365 : i32
      %broadcast_in_dim3A_367 = arith.constant 0.000000e+00 : f32
      %broadcast_in_dim3A_368 = vector.broadcast %broadcast_in_dim3A_367 : f32 to vector<16xf32>
      %min3A_369 = arith.constant 984 : i32
      %min3A_370 = arith.minsi %add3A_366, %min3A_369 : i32
      %swap3A_371 = arith.index_cast %select_n3A_294 : i32 to index
      %swap3A_372 = arith.index_cast %min3A_370 : i32 to index
      %swap3A_373 = tpu.vector_load %arg7[%swap3A_371, %swap3A_372] {strides = array<i32>} : memref<32x1000xf32, #tpu.memory_space<vmem>>, vector<16xf32>,
      tpu.vector_store %arg7[%swap3A_371, %swap3A_372], %broadcast_in_dim3A_368 {strides = array<i32>} : memref<32x1000xf32, #tpu.memory_space<vmem>>, vector<16xf32>,
      %mul3A_374 = arith.constant 128 : i32
      %mul3A_375 = arith.muli %select_n3A_310, %mul3A_374 : i32
      %add3A_376 = arith.constant 96 : i32
      %add3A_377 = arith.addi %mul3A_375, %add3A_376 : i32
      %broadcast_in_dim3A_378 = arith.constant 0.000000e+00 : f32
      %broadcast_in_dim3A_379 = vector.broadcast %broadcast_in_dim3A_378 : f32 to vector<16xf32>
      %min3A_380 = arith.constant 984 : i32
      %min3A_381 = arith.minsi %add3A_377, %min3A_380 : i32
      %swap3A_382 = arith.index_cast %select_n3A_294 : i32 to index
      %swap3A_383 = arith.index_cast %min3A_381 : i32 to index
      %swap3A_384 = tpu.vector_load %arg7[%swap3A_382, %swap3A_383] {strides = array<i32>} : memref<32x1000xf32, #tpu.memory_space<vmem>>, vector<16xf32>,
      tpu.vector_store %arg7[%swap3A_382, %swap3A_383], %broadcast_in_dim3A_379 {strides = array<i32>} : memref<32x1000xf32, #tpu.memory_space<vmem>>, vector<16xf32>,
      %mul3A_385 = arith.constant 128 : i32
      %mul3A_386 = arith.muli %select_n3A_310, %mul3A_385 : i32
      %add3A_387 = arith.constant 112 : i32
      %add3A_388 = arith.addi %mul3A_386, %add3A_387 : i32
      %broadcast_in_dim3A_389 = arith.constant 0.000000e+00 : f32
      %broadcast_in_dim3A_390 = vector.broadcast %broadcast_in_dim3A_389 : f32 to vector<16xf32>
      %min3A_391 = arith.constant 984 : i32
      %min3A_392 = arith.minsi %add3A_388, %min3A_391 : i32
      %swap3A_393 = arith.index_cast %select_n3A_294 : i32 to index
      %swap3A_394 = arith.index_cast %min3A_392 : i32 to index
      %swap3A_395 = tpu.vector_load %arg7[%swap3A_393, %swap3A_394] {strides = array<i32>} : memref<32x1000xf32, #tpu.memory_space<vmem>>, vector<16xf32>,
      tpu.vector_store %arg7[%swap3A_393, %swap3A_394], %broadcast_in_dim3A_390 {strides = array<i32>} : memref<32x1000xf32, #tpu.memory_space<vmem>>, vector<16xf32>,
      %scan3A_396 = arith.constant 0 : i32
      scf.yield %scan3A_396 : i32
    }
    %scan3A_97 = arith.constant 256 : i32
    %dma_wait3A = arith.constant 0 : i32
    %dma_wait3A_98 = arith.constant 0 : i32
    %dma_wait3A_99 = tpu.memref_slice %arg6[%dma_wait3A, %dma_wait3A_98] : memref<32x2048xf32, #tpu.memory_space<vmem>> -> memref<8x2048xf32, #tpu.memory_space<vmem>>
    %dma_wait3A_100 = arith.constant 0 : i32
    %dma_wait3A_101 = tpu.memref_slice %arg3[%add3A_37, %dma_wait3A_100] : memref<1024x2048xf32, #tpu.memory_space<hbm>> -> memref<8x2048xf32, #tpu.memory_space<hbm>>
    %dma_wait3A_102 = arith.constant 0 : i32
    %dma_wait3A_103 = arith.constant 0 : i32
    %dma_wait3A_104 = tpu.memref_slice %arg6[%dma_wait3A_102, %dma_wait3A_103] : memref<32x2048xf32, #tpu.memory_space<vmem>> -> memref<8x2048xf32, #tpu.memory_space<vmem>>
    %dma_wait3A_105 = arith.constant 0 : i32
    %dma_wait3A_106 = tpu.memref_slice %arg3[%add3A_37, %dma_wait3A_105] : memref<1024x2048xf32, #tpu.memory_space<hbm>> -> memref<8x2048xf32, #tpu.memory_space<hbm>>
    tpu.wait_dma2 semaphore(%arg8 : memref<!tpu.dma_semaphore, #tpu.memory_space<semaphore_mem>>) src(%dma_wait3A_106 : memref<8x2048xf32, #tpu.memory_space<hbm>>) dst(%dma_wait3A_104 : memref<8x2048xf32, #tpu.memory_space<vmem>>)
    %scan3A_107 = arith.constant 0 : i32
    %scan3A_108 = arith.constant 0 : i32
    %scan3A_109 = arith.constant 128 : i32
    %scan3A_110 = arith.addi %scan3A_108, %scan3A_109 : i32
    %scan3A_111 = arith.constant 1 : i32
    %scan3A_112 = scf.for %scan3A_269 = %scan3A_108 to %scan3A_110 step %scan3A_111 iter_args(%scan3A_270 = %scan3A_107) -> (i32)  : i32 {
      %mul3A_271 = arith.constant 16 : i32
      %mul3A_272 = arith.muli %scan3A_269, %mul3A_271 : i32
      %get3A = arith.index_cast %mul3A_272 : i32 to index
      %get3A_273 = tpu.vector_load %arg5[%get3A] {strides = array<i32>} : memref<2048xi32, #tpu.memory_space<vmem>>, vector<16xi32>,
      %mul3A_274 = arith.constant 16 : i32
      %mul3A_275 = arith.muli %scan3A_269, %mul3A_274 : i32
      %get3A_276 = arith.constant 0 : i32
      %get3A_277 = arith.index_cast %get3A_276 : i32 to index
      %get3A_278 = arith.index_cast %mul3A_275 : i32 to index
      %get3A_279 = tpu.vector_load %arg6[%get3A_277, %get3A_278] {strides = array<i32>} : memref<32x2048xf32, #tpu.memory_space<vmem>>, vector<16xf32>,
      %broadcast_in_dim3A = arith.constant 0 : i32
      %broadcast_in_dim3A_280 = vector.broadcast %broadcast_in_dim3A : i32 to vector<16xi32>
      tpu.vector_store_idx %arg7[%broadcast_in_dim3A_280, %get3A_273], %get3A_279 {add = true} : memref<32x1000xf32, #tpu.memory_space<vmem>>[vector<16xi32>, vector<16xi32>], vector<16xf32>,
      %mul3A_281 = arith.constant 16 : i32
      %mul3A_282 = arith.muli %scan3A_269, %mul3A_281 : i32
      %get3A_283 = arith.constant 1 : i32
      %get3A_284 = arith.index_cast %get3A_283 : i32 to index
      %get3A_285 = arith.index_cast %mul3A_282 : i32 to index
      %get3A_286 = tpu.vector_load %arg6[%get3A_284, %get3A_285] {strides = array<i32>} : memref<32x2048xf32, #tpu.memory_space<vmem>>, vector<16xf32>,
      %broadcast_in_dim3A_287 = arith.constant 1 : i32
      %broadcast_in_dim3A_288 = vector.broadcast %broadcast_in_dim3A_287 : i32 to vector<16xi32>
      tpu.vector_store_idx %arg7[%broadcast_in_dim3A_288, %get3A_273], %get3A_286 {add = true} : memref<32x1000xf32, #tpu.memory_space<vmem>>[vector<16xi32>, vector<16xi32>], vector<16xf32>,
      %mul3A_289 = arith.constant 16 : i32
      %mul3A_290 = arith.muli %scan3A_269, %mul3A_289 : i32
      %get3A_291 = arith.constant 2 : i32
      %get3A_292 = arith.index_cast %get3A_291 : i32 to index
      %get3A_293 = arith.index_cast %mul3A_290 : i32 to index
      %get3A_294 = tpu.vector_load %arg6[%get3A_292, %get3A_293] {strides = array<i32>} : memref<32x2048xf32, #tpu.memory_space<vmem>>, vector<16xf32>,
      %broadcast_in_dim3A_295 = arith.constant 2 : i32
      %broadcast_in_dim3A_296 = vector.broadcast %broadcast_in_dim3A_295 : i32 to vector<16xi32>
      tpu.vector_store_idx %arg7[%broadcast_in_dim3A_296, %get3A_273], %get3A_294 {add = true} : memref<32x1000xf32, #tpu.memory_space<vmem>>[vector<16xi32>, vector<16xi32>], vector<16xf32>,
      %mul3A_297 = arith.constant 16 : i32
      %mul3A_298 = arith.muli %scan3A_269, %mul3A_297 : i32
      %get3A_299 = arith.constant 3 : i32
      %get3A_300 = arith.index_cast %get3A_299 : i32 to index
      %get3A_301 = arith.index_cast %mul3A_298 : i32 to index
      %get3A_302 = tpu.vector_load %arg6[%get3A_300, %get3A_301] {strides = array<i32>} : memref<32x2048xf32, #tpu.memory_space<vmem>>, vector<16xf32>,
      %broadcast_in_dim3A_303 = arith.constant 3 : i32
      %broadcast_in_dim3A_304 = vector.broadcast %broadcast_in_dim3A_303 : i32 to vector<16xi32>
      tpu.vector_store_idx %arg7[%broadcast_in_dim3A_304, %get3A_273], %get3A_302 {add = true} : memref<32x1000xf32, #tpu.memory_space<vmem>>[vector<16xi32>, vector<16xi32>], vector<16xf32>,
      %mul3A_305 = arith.constant 16 : i32
      %mul3A_306 = arith.muli %scan3A_269, %mul3A_305 : i32
      %get3A_307 = arith.constant 4 : i32
      %get3A_308 = arith.index_cast %get3A_307 : i32 to index
      %get3A_309 = arith.index_cast %mul3A_306 : i32 to index
      %get3A_310 = tpu.vector_load %arg6[%get3A_308, %get3A_309] {strides = array<i32>} : memref<32x2048xf32, #tpu.memory_space<vmem>>, vector<16xf32>,
      %broadcast_in_dim3A_311 = arith.constant 4 : i32
      %broadcast_in_dim3A_312 = vector.broadcast %broadcast_in_dim3A_311 : i32 to vector<16xi32>
      tpu.vector_store_idx %arg7[%broadcast_in_dim3A_312, %get3A_273], %get3A_310 {add = true} : memref<32x1000xf32, #tpu.memory_space<vmem>>[vector<16xi32>, vector<16xi32>], vector<16xf32>,
      %mul3A_313 = arith.constant 16 : i32
      %mul3A_314 = arith.muli %scan3A_269, %mul3A_313 : i32
      %get3A_315 = arith.constant 5 : i32
      %get3A_316 = arith.index_cast %get3A_315 : i32 to index
      %get3A_317 = arith.index_cast %mul3A_314 : i32 to index
      %get3A_318 = tpu.vector_load %arg6[%get3A_316, %get3A_317] {strides = array<i32>} : memref<32x2048xf32, #tpu.memory_space<vmem>>, vector<16xf32>,
      %broadcast_in_dim3A_319 = arith.constant 5 : i32
      %broadcast_in_dim3A_320 = vector.broadcast %broadcast_in_dim3A_319 : i32 to vector<16xi32>
      tpu.vector_store_idx %arg7[%broadcast_in_dim3A_320, %get3A_273], %get3A_318 {add = true} : memref<32x1000xf32, #tpu.memory_space<vmem>>[vector<16xi32>, vector<16xi32>], vector<16xf32>,
      %mul3A_321 = arith.constant 16 : i32
      %mul3A_322 = arith.muli %scan3A_269, %mul3A_321 : i32
      %get3A_323 = arith.constant 6 : i32
      %get3A_324 = arith.index_cast %get3A_323 : i32 to index
      %get3A_325 = arith.index_cast %mul3A_322 : i32 to index
      %get3A_326 = tpu.vector_load %arg6[%get3A_324, %get3A_325] {strides = array<i32>} : memref<32x2048xf32, #tpu.memory_space<vmem>>, vector<16xf32>,
      %broadcast_in_dim3A_327 = arith.constant 6 : i32
      %broadcast_in_dim3A_328 = vector.broadcast %broadcast_in_dim3A_327 : i32 to vector<16xi32>
      tpu.vector_store_idx %arg7[%broadcast_in_dim3A_328, %get3A_273], %get3A_326 {add = true} : memref<32x1000xf32, #tpu.memory_space<vmem>>[vector<16xi32>, vector<16xi32>], vector<16xf32>,
      %mul3A_329 = arith.constant 16 : i32
      %mul3A_330 = arith.muli %scan3A_269, %mul3A_329 : i32
      %get3A_331 = arith.constant 7 : i32
      %get3A_332 = arith.index_cast %get3A_331 : i32 to index
      %get3A_333 = arith.index_cast %mul3A_330 : i32 to index
      %get3A_334 = tpu.vector_load %arg6[%get3A_332, %get3A_333] {strides = array<i32>} : memref<32x2048xf32, #tpu.memory_space<vmem>>, vector<16xf32>,
      %broadcast_in_dim3A_335 = arith.constant 7 : i32
      %broadcast_in_dim3A_336 = vector.broadcast %broadcast_in_dim3A_335 : i32 to vector<16xi32>
      tpu.vector_store_idx %arg7[%broadcast_in_dim3A_336, %get3A_273], %get3A_334 {add = true} : memref<32x1000xf32, #tpu.memory_space<vmem>>[vector<16xi32>, vector<16xi32>], vector<16xf32>,
      %scan3A_337 = arith.constant 0 : i32
      scf.yield %scan3A_337 : i32
    }
    %scan3A_113 = arith.constant 128 : i32
    %add3A_114 = arith.constant 0 : i32
    %add3A_115 = arith.addi %mul3A_32, %add3A_114 : i32
    %dma_start3A_116 = arith.constant 0 : i32
    %dma_start3A_117 = arith.constant 0 : i32
    %dma_start3A_118 = tpu.memref_slice %arg7[%dma_start3A_116, %dma_start3A_117] : memref<32x1000xf32, #tpu.memory_space<vmem>> -> memref<8x1000xf32, #tpu.memory_space<vmem>>
    %dma_start3A_119 = arith.constant 0 : i32
    %dma_start3A_120 = tpu.memref_slice %arg4[%select_n3A, %add3A_115, %dma_start3A_119] : memref<4x256x1000xf32, #tpu.memory_space<hbm>> -> memref<1x8x1000xf32, #tpu.memory_space<hbm>>
    %dma_start3A_121 = tpu.memref_squeeze %dma_start3A_120 : memref<1x8x1000xf32, #tpu.memory_space<hbm>> -> memref<8x1000xf32, #tpu.memory_space<hbm>>
    %dma_start3A_122 = arith.constant 0 : i32
    %dma_start3A_123 = tpu.memref_slice %arg4[%select_n3A, %add3A_115, %dma_start3A_122] : memref<4x256x1000xf32, #tpu.memory_space<hbm>> -> memref<1x8x1000xf32, #tpu.memory_space<hbm>>
    %dma_start3A_124 = tpu.memref_squeeze %dma_start3A_123 : memref<1x8x1000xf32, #tpu.memory_space<hbm>> -> memref<8x1000xf32, #tpu.memory_space<hbm>>
    %dma_start3A_125 = arith.constant 0 : i32
    %dma_start3A_126 = arith.constant 0 : i32
    %dma_start3A_127 = tpu.memref_slice %arg7[%dma_start3A_125, %dma_start3A_126] : memref<32x1000xf32, #tpu.memory_space<vmem>> -> memref<8x1000xf32, #tpu.memory_space<vmem>>
    tpu.enqueue_dma source(%dma_start3A_127 : memref<8x1000xf32, #tpu.memory_space<vmem>>) target(%dma_start3A_124 : memref<8x1000xf32, #tpu.memory_space<hbm>>) target_semaphore(%arg12 : memref<!tpu.dma_semaphore, #tpu.memory_space<semaphore_mem>>)
    %dma_wait3A_128 = arith.constant 8 : i32
    %dma_wait3A_129 = arith.constant 0 : i32
    %dma_wait3A_130 = tpu.memref_slice %arg6[%dma_wait3A_128, %dma_wait3A_129] : memref<32x2048xf32, #tpu.memory_space<vmem>> -> memref<8x2048xf32, #tpu.memory_space<vmem>>
    %dma_wait3A_131 = arith.constant 0 : i32
    %dma_wait3A_132 = tpu.memref_slice %arg3[%add3A_51, %dma_wait3A_131] : memref<1024x2048xf32, #tpu.memory_space<hbm>> -> memref<8x2048xf32, #tpu.memory_space<hbm>>
    %dma_wait3A_133 = arith.constant 8 : i32
    %dma_wait3A_134 = arith.constant 0 : i32
    %dma_wait3A_135 = tpu.memref_slice %arg6[%dma_wait3A_133, %dma_wait3A_134] : memref<32x2048xf32, #tpu.memory_space<vmem>> -> memref<8x2048xf32, #tpu.memory_space<vmem>>
    %dma_wait3A_136 = arith.constant 0 : i32
    %dma_wait3A_137 = tpu.memref_slice %arg3[%add3A_51, %dma_wait3A_136] : memref<1024x2048xf32, #tpu.memory_space<hbm>> -> memref<8x2048xf32, #tpu.memory_space<hbm>>
    tpu.wait_dma2 semaphore(%arg9 : memref<!tpu.dma_semaphore, #tpu.memory_space<semaphore_mem>>) src(%dma_wait3A_137 : memref<8x2048xf32, #tpu.memory_space<hbm>>) dst(%dma_wait3A_135 : memref<8x2048xf32, #tpu.memory_space<vmem>>)
    %scan3A_138 = arith.constant 0 : i32
    %scan3A_139 = arith.constant 0 : i32
    %scan3A_140 = arith.constant 128 : i32
    %scan3A_141 = arith.addi %scan3A_139, %scan3A_140 : i32
    %scan3A_142 = arith.constant 1 : i32
    %scan3A_143 = scf.for %scan3A_269 = %scan3A_139 to %scan3A_141 step %scan3A_142 iter_args(%scan3A_270 = %scan3A_138) -> (i32)  : i32 {
      %mul3A_271 = arith.constant 16 : i32
      %mul3A_272 = arith.muli %scan3A_269, %mul3A_271 : i32
      %get3A = arith.index_cast %mul3A_272 : i32 to index
      %get3A_273 = tpu.vector_load %arg5[%get3A] {strides = array<i32>} : memref<2048xi32, #tpu.memory_space<vmem>>, vector<16xi32>,
      %mul3A_274 = arith.constant 16 : i32
      %mul3A_275 = arith.muli %scan3A_269, %mul3A_274 : i32
      %get3A_276 = arith.constant 8 : i32
      %get3A_277 = arith.index_cast %get3A_276 : i32 to index
      %get3A_278 = arith.index_cast %mul3A_275 : i32 to index
      %get3A_279 = tpu.vector_load %arg6[%get3A_277, %get3A_278] {strides = array<i32>} : memref<32x2048xf32, #tpu.memory_space<vmem>>, vector<16xf32>,
      %broadcast_in_dim3A = arith.constant 8 : i32
      %broadcast_in_dim3A_280 = vector.broadcast %broadcast_in_dim3A : i32 to vector<16xi32>
      tpu.vector_store_idx %arg7[%broadcast_in_dim3A_280, %get3A_273], %get3A_279 {add = true} : memref<32x1000xf32, #tpu.memory_space<vmem>>[vector<16xi32>, vector<16xi32>], vector<16xf32>,
      %mul3A_281 = arith.constant 16 : i32
      %mul3A_282 = arith.muli %scan3A_269, %mul3A_281 : i32
      %get3A_283 = arith.constant 9 : i32
      %get3A_284 = arith.index_cast %get3A_283 : i32 to index
      %get3A_285 = arith.index_cast %mul3A_282 : i32 to index
      %get3A_286 = tpu.vector_load %arg6[%get3A_284, %get3A_285] {strides = array<i32>} : memref<32x2048xf32, #tpu.memory_space<vmem>>, vector<16xf32>,
      %broadcast_in_dim3A_287 = arith.constant 9 : i32
      %broadcast_in_dim3A_288 = vector.broadcast %broadcast_in_dim3A_287 : i32 to vector<16xi32>
      tpu.vector_store_idx %arg7[%broadcast_in_dim3A_288, %get3A_273], %get3A_286 {add = true} : memref<32x1000xf32, #tpu.memory_space<vmem>>[vector<16xi32>, vector<16xi32>], vector<16xf32>,
      %mul3A_289 = arith.constant 16 : i32
      %mul3A_290 = arith.muli %scan3A_269, %mul3A_289 : i32
      %get3A_291 = arith.constant 10 : i32
      %get3A_292 = arith.index_cast %get3A_291 : i32 to index
      %get3A_293 = arith.index_cast %mul3A_290 : i32 to index
      %get3A_294 = tpu.vector_load %arg6[%get3A_292, %get3A_293] {strides = array<i32>} : memref<32x2048xf32, #tpu.memory_space<vmem>>, vector<16xf32>,
      %broadcast_in_dim3A_295 = arith.constant 10 : i32
      %broadcast_in_dim3A_296 = vector.broadcast %broadcast_in_dim3A_295 : i32 to vector<16xi32>
      tpu.vector_store_idx %arg7[%broadcast_in_dim3A_296, %get3A_273], %get3A_294 {add = true} : memref<32x1000xf32, #tpu.memory_space<vmem>>[vector<16xi32>, vector<16xi32>], vector<16xf32>,
      %mul3A_297 = arith.constant 16 : i32
      %mul3A_298 = arith.muli %scan3A_269, %mul3A_297 : i32
      %get3A_299 = arith.constant 11 : i32
      %get3A_300 = arith.index_cast %get3A_299 : i32 to index
      %get3A_301 = arith.index_cast %mul3A_298 : i32 to index
      %get3A_302 = tpu.vector_load %arg6[%get3A_300, %get3A_301] {strides = array<i32>} : memref<32x2048xf32, #tpu.memory_space<vmem>>, vector<16xf32>,
      %broadcast_in_dim3A_303 = arith.constant 11 : i32
      %broadcast_in_dim3A_304 = vector.broadcast %broadcast_in_dim3A_303 : i32 to vector<16xi32>
      tpu.vector_store_idx %arg7[%broadcast_in_dim3A_304, %get3A_273], %get3A_302 {add = true} : memref<32x1000xf32, #tpu.memory_space<vmem>>[vector<16xi32>, vector<16xi32>], vector<16xf32>,
      %mul3A_305 = arith.constant 16 : i32
      %mul3A_306 = arith.muli %scan3A_269, %mul3A_305 : i32
      %get3A_307 = arith.constant 12 : i32
      %get3A_308 = arith.index_cast %get3A_307 : i32 to index
      %get3A_309 = arith.index_cast %mul3A_306 : i32 to index
      %get3A_310 = tpu.vector_load %arg6[%get3A_308, %get3A_309] {strides = array<i32>} : memref<32x2048xf32, #tpu.memory_space<vmem>>, vector<16xf32>,
      %broadcast_in_dim3A_311 = arith.constant 12 : i32
      %broadcast_in_dim3A_312 = vector.broadcast %broadcast_in_dim3A_311 : i32 to vector<16xi32>
      tpu.vector_store_idx %arg7[%broadcast_in_dim3A_312, %get3A_273], %get3A_310 {add = true} : memref<32x1000xf32, #tpu.memory_space<vmem>>[vector<16xi32>, vector<16xi32>], vector<16xf32>,
      %mul3A_313 = arith.constant 16 : i32
      %mul3A_314 = arith.muli %scan3A_269, %mul3A_313 : i32
      %get3A_315 = arith.constant 13 : i32
      %get3A_316 = arith.index_cast %get3A_315 : i32 to index
      %get3A_317 = arith.index_cast %mul3A_314 : i32 to index
      %get3A_318 = tpu.vector_load %arg6[%get3A_316, %get3A_317] {strides = array<i32>} : memref<32x2048xf32, #tpu.memory_space<vmem>>, vector<16xf32>,
      %broadcast_in_dim3A_319 = arith.constant 13 : i32
      %broadcast_in_dim3A_320 = vector.broadcast %broadcast_in_dim3A_319 : i32 to vector<16xi32>
      tpu.vector_store_idx %arg7[%broadcast_in_dim3A_320, %get3A_273], %get3A_318 {add = true} : memref<32x1000xf32, #tpu.memory_space<vmem>>[vector<16xi32>, vector<16xi32>], vector<16xf32>,
      %mul3A_321 = arith.constant 16 : i32
      %mul3A_322 = arith.muli %scan3A_269, %mul3A_321 : i32
      %get3A_323 = arith.constant 14 : i32
      %get3A_324 = arith.index_cast %get3A_323 : i32 to index
      %get3A_325 = arith.index_cast %mul3A_322 : i32 to index
      %get3A_326 = tpu.vector_load %arg6[%get3A_324, %get3A_325] {strides = array<i32>} : memref<32x2048xf32, #tpu.memory_space<vmem>>, vector<16xf32>,
      %broadcast_in_dim3A_327 = arith.constant 14 : i32
      %broadcast_in_dim3A_328 = vector.broadcast %broadcast_in_dim3A_327 : i32 to vector<16xi32>
      tpu.vector_store_idx %arg7[%broadcast_in_dim3A_328, %get3A_273], %get3A_326 {add = true} : memref<32x1000xf32, #tpu.memory_space<vmem>>[vector<16xi32>, vector<16xi32>], vector<16xf32>,
      %mul3A_329 = arith.constant 16 : i32
      %mul3A_330 = arith.muli %scan3A_269, %mul3A_329 : i32
      %get3A_331 = arith.constant 15 : i32
      %get3A_332 = arith.index_cast %get3A_331 : i32 to index
      %get3A_333 = arith.index_cast %mul3A_330 : i32 to index
      %get3A_334 = tpu.vector_load %arg6[%get3A_332, %get3A_333] {strides = array<i32>} : memref<32x2048xf32, #tpu.memory_space<vmem>>, vector<16xf32>,
      %broadcast_in_dim3A_335 = arith.constant 15 : i32
      %broadcast_in_dim3A_336 = vector.broadcast %broadcast_in_dim3A_335 : i32 to vector<16xi32>
      tpu.vector_store_idx %arg7[%broadcast_in_dim3A_336, %get3A_273], %get3A_334 {add = true} : memref<32x1000xf32, #tpu.memory_space<vmem>>[vector<16xi32>, vector<16xi32>], vector<16xf32>,
      %scan3A_337 = arith.constant 0 : i32
      scf.yield %scan3A_337 : i32
    }
    %scan3A_144 = arith.constant 128 : i32
    %add3A_145 = arith.constant 8 : i32
    %add3A_146 = arith.addi %mul3A_32, %add3A_145 : i32
    %dma_start3A_147 = arith.constant 8 : i32
    %dma_start3A_148 = arith.constant 0 : i32
    %dma_start3A_149 = tpu.memref_slice %arg7[%dma_start3A_147, %dma_start3A_148] : memref<32x1000xf32, #tpu.memory_space<vmem>> -> memref<8x1000xf32, #tpu.memory_space<vmem>>
    %dma_start3A_150 = arith.constant 0 : i32
    %dma_start3A_151 = tpu.memref_slice %arg4[%select_n3A, %add3A_146, %dma_start3A_150] : memref<4x256x1000xf32, #tpu.memory_space<hbm>> -> memref<1x8x1000xf32, #tpu.memory_space<hbm>>
    %dma_start3A_152 = tpu.memref_squeeze %dma_start3A_151 : memref<1x8x1000xf32, #tpu.memory_space<hbm>> -> memref<8x1000xf32, #tpu.memory_space<hbm>>
    %dma_start3A_153 = arith.constant 0 : i32
    %dma_start3A_154 = tpu.memref_slice %arg4[%select_n3A, %add3A_146, %dma_start3A_153] : memref<4x256x1000xf32, #tpu.memory_space<hbm>> -> memref<1x8x1000xf32, #tpu.memory_space<hbm>>
    %dma_start3A_155 = tpu.memref_squeeze %dma_start3A_154 : memref<1x8x1000xf32, #tpu.memory_space<hbm>> -> memref<8x1000xf32, #tpu.memory_space<hbm>>
    %dma_start3A_156 = arith.constant 8 : i32
    %dma_start3A_157 = arith.constant 0 : i32
    %dma_start3A_158 = tpu.memref_slice %arg7[%dma_start3A_156, %dma_start3A_157] : memref<32x1000xf32, #tpu.memory_space<vmem>> -> memref<8x1000xf32, #tpu.memory_space<vmem>>
    tpu.enqueue_dma source(%dma_start3A_158 : memref<8x1000xf32, #tpu.memory_space<vmem>>) target(%dma_start3A_155 : memref<8x1000xf32, #tpu.memory_space<hbm>>) target_semaphore(%arg12 : memref<!tpu.dma_semaphore, #tpu.memory_space<semaphore_mem>>)
    %dma_wait3A_159 = arith.constant 16 : i32
    %dma_wait3A_160 = arith.constant 0 : i32
    %dma_wait3A_161 = tpu.memref_slice %arg6[%dma_wait3A_159, %dma_wait3A_160] : memref<32x2048xf32, #tpu.memory_space<vmem>> -> memref<8x2048xf32, #tpu.memory_space<vmem>>
    %dma_wait3A_162 = arith.constant 0 : i32
    %dma_wait3A_163 = tpu.memref_slice %arg3[%add3A_66, %dma_wait3A_162] : memref<1024x2048xf32, #tpu.memory_space<hbm>> -> memref<8x2048xf32, #tpu.memory_space<hbm>>
    %dma_wait3A_164 = arith.constant 16 : i32
    %dma_wait3A_165 = arith.constant 0 : i32
    %dma_wait3A_166 = tpu.memref_slice %arg6[%dma_wait3A_164, %dma_wait3A_165] : memref<32x2048xf32, #tpu.memory_space<vmem>> -> memref<8x2048xf32, #tpu.memory_space<vmem>>
    %dma_wait3A_167 = arith.constant 0 : i32
    %dma_wait3A_168 = tpu.memref_slice %arg3[%add3A_66, %dma_wait3A_167] : memref<1024x2048xf32, #tpu.memory_space<hbm>> -> memref<8x2048xf32, #tpu.memory_space<hbm>>
    tpu.wait_dma2 semaphore(%arg10 : memref<!tpu.dma_semaphore, #tpu.memory_space<semaphore_mem>>) src(%dma_wait3A_168 : memref<8x2048xf32, #tpu.memory_space<hbm>>) dst(%dma_wait3A_166 : memref<8x2048xf32, #tpu.memory_space<vmem>>)
    %scan3A_169 = arith.constant 0 : i32
    %scan3A_170 = arith.constant 0 : i32
    %scan3A_171 = arith.constant 128 : i32
    %scan3A_172 = arith.addi %scan3A_170, %scan3A_171 : i32
    %scan3A_173 = arith.constant 1 : i32
    %scan3A_174 = scf.for %scan3A_269 = %scan3A_170 to %scan3A_172 step %scan3A_173 iter_args(%scan3A_270 = %scan3A_169) -> (i32)  : i32 {
      %mul3A_271 = arith.constant 16 : i32
      %mul3A_272 = arith.muli %scan3A_269, %mul3A_271 : i32
      %get3A = arith.index_cast %mul3A_272 : i32 to index
      %get3A_273 = tpu.vector_load %arg5[%get3A] {strides = array<i32>} : memref<2048xi32, #tpu.memory_space<vmem>>, vector<16xi32>,
      %mul3A_274 = arith.constant 16 : i32
      %mul3A_275 = arith.muli %scan3A_269, %mul3A_274 : i32
      %get3A_276 = arith.constant 16 : i32
      %get3A_277 = arith.index_cast %get3A_276 : i32 to index
      %get3A_278 = arith.index_cast %mul3A_275 : i32 to index
      %get3A_279 = tpu.vector_load %arg6[%get3A_277, %get3A_278] {strides = array<i32>} : memref<32x2048xf32, #tpu.memory_space<vmem>>, vector<16xf32>,
      %broadcast_in_dim3A = arith.constant 16 : i32
      %broadcast_in_dim3A_280 = vector.broadcast %broadcast_in_dim3A : i32 to vector<16xi32>
      tpu.vector_store_idx %arg7[%broadcast_in_dim3A_280, %get3A_273], %get3A_279 {add = true} : memref<32x1000xf32, #tpu.memory_space<vmem>>[vector<16xi32>, vector<16xi32>], vector<16xf32>,
      %mul3A_281 = arith.constant 16 : i32
      %mul3A_282 = arith.muli %scan3A_269, %mul3A_281 : i32
      %get3A_283 = arith.constant 17 : i32
      %get3A_284 = arith.index_cast %get3A_283 : i32 to index
      %get3A_285 = arith.index_cast %mul3A_282 : i32 to index
      %get3A_286 = tpu.vector_load %arg6[%get3A_284, %get3A_285] {strides = array<i32>} : memref<32x2048xf32, #tpu.memory_space<vmem>>, vector<16xf32>,
      %broadcast_in_dim3A_287 = arith.constant 17 : i32
      %broadcast_in_dim3A_288 = vector.broadcast %broadcast_in_dim3A_287 : i32 to vector<16xi32>
      tpu.vector_store_idx %arg7[%broadcast_in_dim3A_288, %get3A_273], %get3A_286 {add = true} : memref<32x1000xf32, #tpu.memory_space<vmem>>[vector<16xi32>, vector<16xi32>], vector<16xf32>,
      %mul3A_289 = arith.constant 16 : i32
      %mul3A_290 = arith.muli %scan3A_269, %mul3A_289 : i32
      %get3A_291 = arith.constant 18 : i32
      %get3A_292 = arith.index_cast %get3A_291 : i32 to index
      %get3A_293 = arith.index_cast %mul3A_290 : i32 to index
      %get3A_294 = tpu.vector_load %arg6[%get3A_292, %get3A_293] {strides = array<i32>} : memref<32x2048xf32, #tpu.memory_space<vmem>>, vector<16xf32>,
      %broadcast_in_dim3A_295 = arith.constant 18 : i32
      %broadcast_in_dim3A_296 = vector.broadcast %broadcast_in_dim3A_295 : i32 to vector<16xi32>
      tpu.vector_store_idx %arg7[%broadcast_in_dim3A_296, %get3A_273], %get3A_294 {add = true} : memref<32x1000xf32, #tpu.memory_space<vmem>>[vector<16xi32>, vector<16xi32>], vector<16xf32>,
      %mul3A_297 = arith.constant 16 : i32
      %mul3A_298 = arith.muli %scan3A_269, %mul3A_297 : i32
      %get3A_299 = arith.constant 19 : i32
      %get3A_300 = arith.index_cast %get3A_299 : i32 to index
      %get3A_301 = arith.index_cast %mul3A_298 : i32 to index
      %get3A_302 = tpu.vector_load %arg6[%get3A_300, %get3A_301] {strides = array<i32>} : memref<32x2048xf32, #tpu.memory_space<vmem>>, vector<16xf32>,
      %broadcast_in_dim3A_303 = arith.constant 19 : i32
      %broadcast_in_dim3A_304 = vector.broadcast %broadcast_in_dim3A_303 : i32 to vector<16xi32>
      tpu.vector_store_idx %arg7[%broadcast_in_dim3A_304, %get3A_273], %get3A_302 {add = true} : memref<32x1000xf32, #tpu.memory_space<vmem>>[vector<16xi32>, vector<16xi32>], vector<16xf32>,
      %mul3A_305 = arith.constant 16 : i32
      %mul3A_306 = arith.muli %scan3A_269, %mul3A_305 : i32
      %get3A_307 = arith.constant 20 : i32
      %get3A_308 = arith.index_cast %get3A_307 : i32 to index
      %get3A_309 = arith.index_cast %mul3A_306 : i32 to index
      %get3A_310 = tpu.vector_load %arg6[%get3A_308, %get3A_309] {strides = array<i32>} : memref<32x2048xf32, #tpu.memory_space<vmem>>, vector<16xf32>,
      %broadcast_in_dim3A_311 = arith.constant 20 : i32
      %broadcast_in_dim3A_312 = vector.broadcast %broadcast_in_dim3A_311 : i32 to vector<16xi32>
      tpu.vector_store_idx %arg7[%broadcast_in_dim3A_312, %get3A_273], %get3A_310 {add = true} : memref<32x1000xf32, #tpu.memory_space<vmem>>[vector<16xi32>, vector<16xi32>], vector<16xf32>,
      %mul3A_313 = arith.constant 16 : i32
      %mul3A_314 = arith.muli %scan3A_269, %mul3A_313 : i32
      %get3A_315 = arith.constant 21 : i32
      %get3A_316 = arith.index_cast %get3A_315 : i32 to index
      %get3A_317 = arith.index_cast %mul3A_314 : i32 to index
      %get3A_318 = tpu.vector_load %arg6[%get3A_316, %get3A_317] {strides = array<i32>} : memref<32x2048xf32, #tpu.memory_space<vmem>>, vector<16xf32>,
      %broadcast_in_dim3A_319 = arith.constant 21 : i32
      %broadcast_in_dim3A_320 = vector.broadcast %broadcast_in_dim3A_319 : i32 to vector<16xi32>
      tpu.vector_store_idx %arg7[%broadcast_in_dim3A_320, %get3A_273], %get3A_318 {add = true} : memref<32x1000xf32, #tpu.memory_space<vmem>>[vector<16xi32>, vector<16xi32>], vector<16xf32>,
      %mul3A_321 = arith.constant 16 : i32
      %mul3A_322 = arith.muli %scan3A_269, %mul3A_321 : i32
      %get3A_323 = arith.constant 22 : i32
      %get3A_324 = arith.index_cast %get3A_323 : i32 to index
      %get3A_325 = arith.index_cast %mul3A_322 : i32 to index
      %get3A_326 = tpu.vector_load %arg6[%get3A_324, %get3A_325] {strides = array<i32>} : memref<32x2048xf32, #tpu.memory_space<vmem>>, vector<16xf32>,
      %broadcast_in_dim3A_327 = arith.constant 22 : i32
      %broadcast_in_dim3A_328 = vector.broadcast %broadcast_in_dim3A_327 : i32 to vector<16xi32>
      tpu.vector_store_idx %arg7[%broadcast_in_dim3A_328, %get3A_273], %get3A_326 {add = true} : memref<32x1000xf32, #tpu.memory_space<vmem>>[vector<16xi32>, vector<16xi32>], vector<16xf32>,
      %mul3A_329 = arith.constant 16 : i32
      %mul3A_330 = arith.muli %scan3A_269, %mul3A_329 : i32
      %get3A_331 = arith.constant 23 : i32
      %get3A_332 = arith.index_cast %get3A_331 : i32 to index
      %get3A_333 = arith.index_cast %mul3A_330 : i32 to index
      %get3A_334 = tpu.vector_load %arg6[%get3A_332, %get3A_333] {strides = array<i32>} : memref<32x2048xf32, #tpu.memory_space<vmem>>, vector<16xf32>,
      %broadcast_in_dim3A_335 = arith.constant 23 : i32
      %broadcast_in_dim3A_336 = vector.broadcast %broadcast_in_dim3A_335 : i32 to vector<16xi32>
      tpu.vector_store_idx %arg7[%broadcast_in_dim3A_336, %get3A_273], %get3A_334 {add = true} : memref<32x1000xf32, #tpu.memory_space<vmem>>[vector<16xi32>, vector<16xi32>], vector<16xf32>,
      %scan3A_337 = arith.constant 0 : i32
      scf.yield %scan3A_337 : i32
    }
    %scan3A_175 = arith.constant 128 : i32
    %add3A_176 = arith.constant 16 : i32
    %add3A_177 = arith.addi %mul3A_32, %add3A_176 : i32
    %dma_start3A_178 = arith.constant 16 : i32
    %dma_start3A_179 = arith.constant 0 : i32
    %dma_start3A_180 = tpu.memref_slice %arg7[%dma_start3A_178, %dma_start3A_179] : memref<32x1000xf32, #tpu.memory_space<vmem>> -> memref<8x1000xf32, #tpu.memory_space<vmem>>
    %dma_start3A_181 = arith.constant 0 : i32
    %dma_start3A_182 = tpu.memref_slice %arg4[%select_n3A, %add3A_177, %dma_start3A_181] : memref<4x256x1000xf32, #tpu.memory_space<hbm>> -> memref<1x8x1000xf32, #tpu.memory_space<hbm>>
    %dma_start3A_183 = tpu.memref_squeeze %dma_start3A_182 : memref<1x8x1000xf32, #tpu.memory_space<hbm>> -> memref<8x1000xf32, #tpu.memory_space<hbm>>
    %dma_start3A_184 = arith.constant 0 : i32
    %dma_start3A_185 = tpu.memref_slice %arg4[%select_n3A, %add3A_177, %dma_start3A_184] : memref<4x256x1000xf32, #tpu.memory_space<hbm>> -> memref<1x8x1000xf32, #tpu.memory_space<hbm>>
    %dma_start3A_186 = tpu.memref_squeeze %dma_start3A_185 : memref<1x8x1000xf32, #tpu.memory_space<hbm>> -> memref<8x1000xf32, #tpu.memory_space<hbm>>
    %dma_start3A_187 = arith.constant 16 : i32
    %dma_start3A_188 = arith.constant 0 : i32
    %dma_start3A_189 = tpu.memref_slice %arg7[%dma_start3A_187, %dma_start3A_188] : memref<32x1000xf32, #tpu.memory_space<vmem>> -> memref<8x1000xf32, #tpu.memory_space<vmem>>
    tpu.enqueue_dma source(%dma_start3A_189 : memref<8x1000xf32, #tpu.memory_space<vmem>>) target(%dma_start3A_186 : memref<8x1000xf32, #tpu.memory_space<hbm>>) target_semaphore(%arg12 : memref<!tpu.dma_semaphore, #tpu.memory_space<semaphore_mem>>)
    %dma_wait3A_190 = arith.constant 24 : i32
    %dma_wait3A_191 = arith.constant 0 : i32
    %dma_wait3A_192 = tpu.memref_slice %arg6[%dma_wait3A_190, %dma_wait3A_191] : memref<32x2048xf32, #tpu.memory_space<vmem>> -> memref<8x2048xf32, #tpu.memory_space<vmem>>
    %dma_wait3A_193 = arith.constant 0 : i32
    %dma_wait3A_194 = tpu.memref_slice %arg3[%add3A_81, %dma_wait3A_193] : memref<1024x2048xf32, #tpu.memory_space<hbm>> -> memref<8x2048xf32, #tpu.memory_space<hbm>>
    %dma_wait3A_195 = arith.constant 24 : i32
    %dma_wait3A_196 = arith.constant 0 : i32
    %dma_wait3A_197 = tpu.memref_slice %arg6[%dma_wait3A_195, %dma_wait3A_196] : memref<32x2048xf32, #tpu.memory_space<vmem>> -> memref<8x2048xf32, #tpu.memory_space<vmem>>
    %dma_wait3A_198 = arith.constant 0 : i32
    %dma_wait3A_199 = tpu.memref_slice %arg3[%add3A_81, %dma_wait3A_198] : memref<1024x2048xf32, #tpu.memory_space<hbm>> -> memref<8x2048xf32, #tpu.memory_space<hbm>>
    tpu.wait_dma2 semaphore(%arg11 : memref<!tpu.dma_semaphore, #tpu.memory_space<semaphore_mem>>) src(%dma_wait3A_199 : memref<8x2048xf32, #tpu.memory_space<hbm>>) dst(%dma_wait3A_197 : memref<8x2048xf32, #tpu.memory_space<vmem>>)
    %scan3A_200 = arith.constant 0 : i32
    %scan3A_201 = arith.constant 0 : i32
    %scan3A_202 = arith.constant 128 : i32
    %scan3A_203 = arith.addi %scan3A_201, %scan3A_202 : i32
    %scan3A_204 = arith.constant 1 : i32
    %scan3A_205 = scf.for %scan3A_269 = %scan3A_201 to %scan3A_203 step %scan3A_204 iter_args(%scan3A_270 = %scan3A_200) -> (i32)  : i32 {
      %mul3A_271 = arith.constant 16 : i32
      %mul3A_272 = arith.muli %scan3A_269, %mul3A_271 : i32
      %get3A = arith.index_cast %mul3A_272 : i32 to index
      %get3A_273 = tpu.vector_load %arg5[%get3A] {strides = array<i32>} : memref<2048xi32, #tpu.memory_space<vmem>>, vector<16xi32>,
      %mul3A_274 = arith.constant 16 : i32
      %mul3A_275 = arith.muli %scan3A_269, %mul3A_274 : i32
      %get3A_276 = arith.constant 24 : i32
      %get3A_277 = arith.index_cast %get3A_276 : i32 to index
      %get3A_278 = arith.index_cast %mul3A_275 : i32 to index
      %get3A_279 = tpu.vector_load %arg6[%get3A_277, %get3A_278] {strides = array<i32>} : memref<32x2048xf32, #tpu.memory_space<vmem>>, vector<16xf32>,
      %broadcast_in_dim3A = arith.constant 24 : i32
      %broadcast_in_dim3A_280 = vector.broadcast %broadcast_in_dim3A : i32 to vector<16xi32>
      tpu.vector_store_idx %arg7[%broadcast_in_dim3A_280, %get3A_273], %get3A_279 {add = true} : memref<32x1000xf32, #tpu.memory_space<vmem>>[vector<16xi32>, vector<16xi32>], vector<16xf32>,
      %mul3A_281 = arith.constant 16 : i32
      %mul3A_282 = arith.muli %scan3A_269, %mul3A_281 : i32
      %get3A_283 = arith.constant 25 : i32
      %get3A_284 = arith.index_cast %get3A_283 : i32 to index
      %get3A_285 = arith.index_cast %mul3A_282 : i32 to index
      %get3A_286 = tpu.vector_load %arg6[%get3A_284, %get3A_285] {strides = array<i32>} : memref<32x2048xf32, #tpu.memory_space<vmem>>, vector<16xf32>,
      %broadcast_in_dim3A_287 = arith.constant 25 : i32
      %broadcast_in_dim3A_288 = vector.broadcast %broadcast_in_dim3A_287 : i32 to vector<16xi32>
      tpu.vector_store_idx %arg7[%broadcast_in_dim3A_288, %get3A_273], %get3A_286 {add = true} : memref<32x1000xf32, #tpu.memory_space<vmem>>[vector<16xi32>, vector<16xi32>], vector<16xf32>,
      %mul3A_289 = arith.constant 16 : i32
      %mul3A_290 = arith.muli %scan3A_269, %mul3A_289 : i32
      %get3A_291 = arith.constant 26 : i32
      %get3A_292 = arith.index_cast %get3A_291 : i32 to index
      %get3A_293 = arith.index_cast %mul3A_290 : i32 to index
      %get3A_294 = tpu.vector_load %arg6[%get3A_292, %get3A_293] {strides = array<i32>} : memref<32x2048xf32, #tpu.memory_space<vmem>>, vector<16xf32>,
      %broadcast_in_dim3A_295 = arith.constant 26 : i32
      %broadcast_in_dim3A_296 = vector.broadcast %broadcast_in_dim3A_295 : i32 to vector<16xi32>
      tpu.vector_store_idx %arg7[%broadcast_in_dim3A_296, %get3A_273], %get3A_294 {add = true} : memref<32x1000xf32, #tpu.memory_space<vmem>>[vector<16xi32>, vector<16xi32>], vector<16xf32>,
      %mul3A_297 = arith.constant 16 : i32
      %mul3A_298 = arith.muli %scan3A_269, %mul3A_297 : i32
      %get3A_299 = arith.constant 27 : i32
      %get3A_300 = arith.index_cast %get3A_299 : i32 to index
      %get3A_301 = arith.index_cast %mul3A_298 : i32 to index
      %get3A_302 = tpu.vector_load %arg6[%get3A_300, %get3A_301] {strides = array<i32>} : memref<32x2048xf32, #tpu.memory_space<vmem>>, vector<16xf32>,
      %broadcast_in_dim3A_303 = arith.constant 27 : i32
      %broadcast_in_dim3A_304 = vector.broadcast %broadcast_in_dim3A_303 : i32 to vector<16xi32>
      tpu.vector_store_idx %arg7[%broadcast_in_dim3A_304, %get3A_273], %get3A_302 {add = true} : memref<32x1000xf32, #tpu.memory_space<vmem>>[vector<16xi32>, vector<16xi32>], vector<16xf32>,
      %mul3A_305 = arith.constant 16 : i32
      %mul3A_306 = arith.muli %scan3A_269, %mul3A_305 : i32
      %get3A_307 = arith.constant 28 : i32
      %get3A_308 = arith.index_cast %get3A_307 : i32 to index
      %get3A_309 = arith.index_cast %mul3A_306 : i32 to index
      %get3A_310 = tpu.vector_load %arg6[%get3A_308, %get3A_309] {strides = array<i32>} : memref<32x2048xf32, #tpu.memory_space<vmem>>, vector<16xf32>,
      %broadcast_in_dim3A_311 = arith.constant 28 : i32
      %broadcast_in_dim3A_312 = vector.broadcast %broadcast_in_dim3A_311 : i32 to vector<16xi32>
      tpu.vector_store_idx %arg7[%broadcast_in_dim3A_312, %get3A_273], %get3A_310 {add = true} : memref<32x1000xf32, #tpu.memory_space<vmem>>[vector<16xi32>, vector<16xi32>], vector<16xf32>,
      %mul3A_313 = arith.constant 16 : i32
      %mul3A_314 = arith.muli %scan3A_269, %mul3A_313 : i32
      %get3A_315 = arith.constant 29 : i32
      %get3A_316 = arith.index_cast %get3A_315 : i32 to index
      %get3A_317 = arith.index_cast %mul3A_314 : i32 to index
      %get3A_318 = tpu.vector_load %arg6[%get3A_316, %get3A_317] {strides = array<i32>} : memref<32x2048xf32, #tpu.memory_space<vmem>>, vector<16xf32>,
      %broadcast_in_dim3A_319 = arith.constant 29 : i32
      %broadcast_in_dim3A_320 = vector.broadcast %broadcast_in_dim3A_319 : i32 to vector<16xi32>
      tpu.vector_store_idx %arg7[%broadcast_in_dim3A_320, %get3A_273], %get3A_318 {add = true} : memref<32x1000xf32, #tpu.memory_space<vmem>>[vector<16xi32>, vector<16xi32>], vector<16xf32>,
      %mul3A_321 = arith.constant 16 : i32
      %mul3A_322 = arith.muli %scan3A_269, %mul3A_321 : i32
      %get3A_323 = arith.constant 30 : i32
      %get3A_324 = arith.index_cast %get3A_323 : i32 to index
      %get3A_325 = arith.index_cast %mul3A_322 : i32 to index
      %get3A_326 = tpu.vector_load %arg6[%get3A_324, %get3A_325] {strides = array<i32>} : memref<32x2048xf32, #tpu.memory_space<vmem>>, vector<16xf32>,
      %broadcast_in_dim3A_327 = arith.constant 30 : i32
      %broadcast_in_dim3A_328 = vector.broadcast %broadcast_in_dim3A_327 : i32 to vector<16xi32>
      tpu.vector_store_idx %arg7[%broadcast_in_dim3A_328, %get3A_273], %get3A_326 {add = true} : memref<32x1000xf32, #tpu.memory_space<vmem>>[vector<16xi32>, vector<16xi32>], vector<16xf32>,
      %mul3A_329 = arith.constant 16 : i32
      %mul3A_330 = arith.muli %scan3A_269, %mul3A_329 : i32
      %get3A_331 = arith.constant 31 : i32
      %get3A_332 = arith.index_cast %get3A_331 : i32 to index
      %get3A_333 = arith.index_cast %mul3A_330 : i32 to index
      %get3A_334 = tpu.vector_load %arg6[%get3A_332, %get3A_333] {strides = array<i32>} : memref<32x2048xf32, #tpu.memory_space<vmem>>, vector<16xf32>,
      %broadcast_in_dim3A_335 = arith.constant 31 : i32
      %broadcast_in_dim3A_336 = vector.broadcast %broadcast_in_dim3A_335 : i32 to vector<16xi32>
      tpu.vector_store_idx %arg7[%broadcast_in_dim3A_336, %get3A_273], %get3A_334 {add = true} : memref<32x1000xf32, #tpu.memory_space<vmem>>[vector<16xi32>, vector<16xi32>], vector<16xf32>,
      %scan3A_337 = arith.constant 0 : i32
      scf.yield %scan3A_337 : i32
    }
    %scan3A_206 = arith.constant 128 : i32
    %add3A_207 = arith.constant 24 : i32
    %add3A_208 = arith.addi %mul3A_32, %add3A_207 : i32
    %dma_start3A_209 = arith.constant 24 : i32
    %dma_start3A_210 = arith.constant 0 : i32
    %dma_start3A_211 = tpu.memref_slice %arg7[%dma_start3A_209, %dma_start3A_210] : memref<32x1000xf32, #tpu.memory_space<vmem>> -> memref<8x1000xf32, #tpu.memory_space<vmem>>
    %dma_start3A_212 = arith.constant 0 : i32
    %dma_start3A_213 = tpu.memref_slice %arg4[%select_n3A, %add3A_208, %dma_start3A_212] : memref<4x256x1000xf32, #tpu.memory_space<hbm>> -> memref<1x8x1000xf32, #tpu.memory_space<hbm>>
    %dma_start3A_214 = tpu.memref_squeeze %dma_start3A_213 : memref<1x8x1000xf32, #tpu.memory_space<hbm>> -> memref<8x1000xf32, #tpu.memory_space<hbm>>
    %dma_start3A_215 = arith.constant 0 : i32
    %dma_start3A_216 = tpu.memref_slice %arg4[%select_n3A, %add3A_208, %dma_start3A_215] : memref<4x256x1000xf32, #tpu.memory_space<hbm>> -> memref<1x8x1000xf32, #tpu.memory_space<hbm>>
    %dma_start3A_217 = tpu.memref_squeeze %dma_start3A_216 : memref<1x8x1000xf32, #tpu.memory_space<hbm>> -> memref<8x1000xf32, #tpu.memory_space<hbm>>
    %dma_start3A_218 = arith.constant 24 : i32
    %dma_start3A_219 = arith.constant 0 : i32
    %dma_start3A_220 = tpu.memref_slice %arg7[%dma_start3A_218, %dma_start3A_219] : memref<32x1000xf32, #tpu.memory_space<vmem>> -> memref<8x1000xf32, #tpu.memory_space<vmem>>
    tpu.enqueue_dma source(%dma_start3A_220 : memref<8x1000xf32, #tpu.memory_space<vmem>>) target(%dma_start3A_217 : memref<8x1000xf32, #tpu.memory_space<hbm>>) target_semaphore(%arg12 : memref<!tpu.dma_semaphore, #tpu.memory_space<semaphore_mem>>)
    %dma_wait3A_221 = arith.constant 0 : i32
    %dma_wait3A_222 = arith.constant 0 : i32
    %dma_wait3A_223 = tpu.memref_slice %arg7[%dma_wait3A_221, %dma_wait3A_222] : memref<32x1000xf32, #tpu.memory_space<vmem>> -> memref<8x1000xf32, #tpu.memory_space<vmem>>
    %dma_wait3A_224 = arith.constant 0 : i32
    %dma_wait3A_225 = tpu.memref_slice %arg4[%select_n3A, %add3A_115, %dma_wait3A_224] : memref<4x256x1000xf32, #tpu.memory_space<hbm>> -> memref<1x8x1000xf32, #tpu.memory_space<hbm>>
    %dma_wait3A_226 = tpu.memref_squeeze %dma_wait3A_225 : memref<1x8x1000xf32, #tpu.memory_space<hbm>> -> memref<8x1000xf32, #tpu.memory_space<hbm>>
    %dma_wait3A_227 = arith.constant 0 : i32
    %dma_wait3A_228 = tpu.memref_slice %arg4[%select_n3A, %add3A_115, %dma_wait3A_227] : memref<4x256x1000xf32, #tpu.memory_space<hbm>> -> memref<1x8x1000xf32, #tpu.memory_space<hbm>>
    %dma_wait3A_229 = tpu.memref_squeeze %dma_wait3A_228 : memref<1x8x1000xf32, #tpu.memory_space<hbm>> -> memref<8x1000xf32, #tpu.memory_space<hbm>>
    %dma_wait3A_230 = arith.constant 0 : i32
    %dma_wait3A_231 = arith.constant 0 : i32
    %dma_wait3A_232 = tpu.memref_slice %arg7[%dma_wait3A_230, %dma_wait3A_231] : memref<32x1000xf32, #tpu.memory_space<vmem>> -> memref<8x1000xf32, #tpu.memory_space<vmem>>
    tpu.wait_dma2 semaphore(%arg12 : memref<!tpu.dma_semaphore, #tpu.memory_space<semaphore_mem>>) src(%dma_wait3A_232 : memref<8x1000xf32, #tpu.memory_space<vmem>>) dst(%dma_wait3A_229 : memref<8x1000xf32, #tpu.memory_space<hbm>>)
    %dma_wait3A_233 = arith.constant 8 : i32
    %dma_wait3A_234 = arith.constant 0 : i32
    %dma_wait3A_235 = tpu.memref_slice %arg7[%dma_wait3A_233, %dma_wait3A_234] : memref<32x1000xf32, #tpu.memory_space<vmem>> -> memref<8x1000xf32, #tpu.memory_space<vmem>>
    %dma_wait3A_236 = arith.constant 0 : i32
    %dma_wait3A_237 = tpu.memref_slice %arg4[%select_n3A, %add3A_146, %dma_wait3A_236] : memref<4x256x1000xf32, #tpu.memory_space<hbm>> -> memref<1x8x1000xf32, #tpu.memory_space<hbm>>
    %dma_wait3A_238 = tpu.memref_squeeze %dma_wait3A_237 : memref<1x8x1000xf32, #tpu.memory_space<hbm>> -> memref<8x1000xf32, #tpu.memory_space<hbm>>
    %dma_wait3A_239 = arith.constant 0 : i32
    %dma_wait3A_240 = tpu.memref_slice %arg4[%select_n3A, %add3A_146, %dma_wait3A_239] : memref<4x256x1000xf32, #tpu.memory_space<hbm>> -> memref<1x8x1000xf32, #tpu.memory_space<hbm>>
    %dma_wait3A_241 = tpu.memref_squeeze %dma_wait3A_240 : memref<1x8x1000xf32, #tpu.memory_space<hbm>> -> memref<8x1000xf32, #tpu.memory_space<hbm>>
    %dma_wait3A_242 = arith.constant 8 : i32
    %dma_wait3A_243 = arith.constant 0 : i32
    %dma_wait3A_244 = tpu.memref_slice %arg7[%dma_wait3A_242, %dma_wait3A_243] : memref<32x1000xf32, #tpu.memory_space<vmem>> -> memref<8x1000xf32, #tpu.memory_space<vmem>>
    tpu.wait_dma2 semaphore(%arg12 : memref<!tpu.dma_semaphore, #tpu.memory_space<semaphore_mem>>) src(%dma_wait3A_244 : memref<8x1000xf32, #tpu.memory_space<vmem>>) dst(%dma_wait3A_241 : memref<8x1000xf32, #tpu.memory_space<hbm>>)
    %dma_wait3A_245 = arith.constant 16 : i32
    %dma_wait3A_246 = arith.constant 0 : i32
    %dma_wait3A_247 = tpu.memref_slice %arg7[%dma_wait3A_245, %dma_wait3A_246] : memref<32x1000xf32, #tpu.memory_space<vmem>> -> memref<8x1000xf32, #tpu.memory_space<vmem>>
    %dma_wait3A_248 = arith.constant 0 : i32
    %dma_wait3A_249 = tpu.memref_slice %arg4[%select_n3A, %add3A_177, %dma_wait3A_248] : memref<4x256x1000xf32, #tpu.memory_space<hbm>> -> memref<1x8x1000xf32, #tpu.memory_space<hbm>>
    %dma_wait3A_250 = tpu.memref_squeeze %dma_wait3A_249 : memref<1x8x1000xf32, #tpu.memory_space<hbm>> -> memref<8x1000xf32, #tpu.memory_space<hbm>>
    %dma_wait3A_251 = arith.constant 0 : i32
    %dma_wait3A_252 = tpu.memref_slice %arg4[%select_n3A, %add3A_177, %dma_wait3A_251] : memref<4x256x1000xf32, #tpu.memory_space<hbm>> -> memref<1x8x1000xf32, #tpu.memory_space<hbm>>
    %dma_wait3A_253 = tpu.memref_squeeze %dma_wait3A_252 : memref<1x8x1000xf32, #tpu.memory_space<hbm>> -> memref<8x1000xf32, #tpu.memory_space<hbm>>
    %dma_wait3A_254 = arith.constant 16 : i32
    %dma_wait3A_255 = arith.constant 0 : i32
    %dma_wait3A_256 = tpu.memref_slice %arg7[%dma_wait3A_254, %dma_wait3A_255] : memref<32x1000xf32, #tpu.memory_space<vmem>> -> memref<8x1000xf32, #tpu.memory_space<vmem>>
    tpu.wait_dma2 semaphore(%arg12 : memref<!tpu.dma_semaphore, #tpu.memory_space<semaphore_mem>>) src(%dma_wait3A_256 : memref<8x1000xf32, #tpu.memory_space<vmem>>) dst(%dma_wait3A_253 : memref<8x1000xf32, #tpu.memory_space<hbm>>)
    %dma_wait3A_257 = arith.constant 24 : i32
    %dma_wait3A_258 = arith.constant 0 : i32
    %dma_wait3A_259 = tpu.memref_slice %arg7[%dma_wait3A_257, %dma_wait3A_258] : memref<32x1000xf32, #tpu.memory_space<vmem>> -> memref<8x1000xf32, #tpu.memory_space<vmem>>
    %dma_wait3A_260 = arith.constant 0 : i32
    %dma_wait3A_261 = tpu.memref_slice %arg4[%select_n3A, %add3A_208, %dma_wait3A_260] : memref<4x256x1000xf32, #tpu.memory_space<hbm>> -> memref<1x8x1000xf32, #tpu.memory_space<hbm>>
    %dma_wait3A_262 = tpu.memref_squeeze %dma_wait3A_261 : memref<1x8x1000xf32, #tpu.memory_space<hbm>> -> memref<8x1000xf32, #tpu.memory_space<hbm>>
    %dma_wait3A_263 = arith.constant 0 : i32
    %dma_wait3A_264 = tpu.memref_slice %arg4[%select_n3A, %add3A_208, %dma_wait3A_263] : memref<4x256x1000xf32, #tpu.memory_space<hbm>> -> memref<1x8x1000xf32, #tpu.memory_space<hbm>>
    %dma_wait3A_265 = tpu.memref_squeeze %dma_wait3A_264 : memref<1x8x1000xf32, #tpu.memory_space<hbm>> -> memref<8x1000xf32, #tpu.memory_space<hbm>>
    %dma_wait3A_266 = arith.constant 24 : i32
    %dma_wait3A_267 = arith.constant 0 : i32
    %dma_wait3A_268 = tpu.memref_slice %arg7[%dma_wait3A_266, %dma_wait3A_267] : memref<32x1000xf32, #tpu.memory_space<vmem>> -> memref<8x1000xf32, #tpu.memory_space<vmem>>
    tpu.wait_dma2 semaphore(%arg12 : memref<!tpu.dma_semaphore, #tpu.memory_space<semaphore_mem>>) src(%dma_wait3A_268 : memref<8x1000xf32, #tpu.memory_space<vmem>>) dst(%dma_wait3A_265 : memref<8x1000xf32, #tpu.memory_space<hbm>>)
    return
  }
}

module attributes {stable_mosaic.version = 14 : i64} {
  func.func @_pgen_body(%arg0: i32, %arg1: i32, %arg2: memref<1x256x512xf32, #tpu.memory_space<vmem>>, %arg3: memref<1x512x768xf32, #tpu.memory_space<vmem>>, %arg4: memref<1x256x768xf32, #tpu.memory_space<vmem>>, %arg5: memref<768x1xf32, #tpu.memory_space<vmem>>, %arg6: memref<768x1xf32, #tpu.memory_space<vmem>>, %arg7: memref<1x1xf32, #tpu.memory_space<vmem>>, %arg8: memref<1x1x256xf32, #tpu.memory_space<vmem>>, %arg9: memref<256x768xf32, #tpu.memory_space<vmem>>) attributes {dimension_semantics = [#tpu.dimension_semantics<arbitrary>, #tpu.dimension_semantics<arbitrary>], iteration_bounds = array<i64: 4, 4>, scalar_prefetch = 0 : i64, scratch_operands = 1 : i64, tpu.core_type = #tpu.core_type<tc>, window_params = [{transform_indices = @transform_0, window_bounds = array<i64: 1, 256, 512>}, {transform_indices = @transform_1, window_bounds = array<i64: 1, 512, 768>}, {transform_indices = @transform_2, window_bounds = array<i64: 1, 256, 768>}, {pipeline_mode = #tpu.pipeline_mode<synchronous>, transform_indices = @transform_3, window_bounds = array<i64: 768, 1>}, {pipeline_mode = #tpu.pipeline_mode<synchronous>, transform_indices = @transform_4, window_bounds = array<i64: 768, 1>}, {pipeline_mode = #tpu.pipeline_mode<synchronous>, transform_indices = @transform_5, window_bounds = array<i64: 1, 1>}, {transform_indices = @transform_6, window_bounds = array<i64: 1, 1, 256>}]} {
    %eq3A = arith.constant 0 : i32
    %eq3A_0 = arith.cmpi eq, %arg1, %eq3A : i32
    %convert_element_type3A = arith.extui %eq3A_0 : i1 to i32
    %cond3A = arith.constant 0 : i32
    %cond3A_1 = arith.cmpi ne, %convert_element_type3A, %cond3A : i32
    scf.if %cond3A_1 {
      %broadcast_in_dim3A = arith.constant 0.000000e+00 : f32
      %broadcast_in_dim3A_22 = vector.broadcast %broadcast_in_dim3A : f32 to vector<256x768xf32>
      %swap3A_23 = arith.constant 0 : index
      %swap3A_24 = arith.constant 0 : index
      %swap3A_25 = vector.load %arg9[%swap3A_23, %swap3A_24] : memref<256x768xf32, #tpu.memory_space<vmem>>, vector<256x768xf32>
      tpu.vector_store %arg9[%swap3A_23, %swap3A_24], %broadcast_in_dim3A_22 {strides = array<i32>} : memref<256x768xf32, #tpu.memory_space<vmem>>, vector<256x768xf32>,
    } else {
    }
    %get3A = arith.constant 0 : index
    %get3A_2 = arith.constant 0 : index
    %get3A_3 = vector.load %arg9[%get3A, %get3A_2] : memref<256x768xf32, #tpu.memory_space<vmem>>, vector<256x768xf32>
    %get3A_4 = arith.constant 0 : index
    %get3A_5 = arith.constant 0 : index
    %get3A_6 = arith.constant 0 : index
    %get3A_7 = vector.load %arg2[%get3A_4, %get3A_5, %get3A_6] : memref<1x256x512xf32, #tpu.memory_space<vmem>>, vector<1x256x512xf32>
    %get3A_8 = vector.shape_cast %get3A_7 : vector<1x256x512xf32> to vector<256x512xf32>
    %get3A_9 = arith.constant 0 : index
    %get3A_10 = arith.constant 0 : index
    %get3A_11 = arith.constant 0 : index
    %get3A_12 = vector.load %arg3[%get3A_9, %get3A_10, %get3A_11] : memref<1x512x768xf32, #tpu.memory_space<vmem>>, vector<1x512x768xf32>
    %get3A_13 = vector.shape_cast %get3A_12 : vector<1x512x768xf32> to vector<512x768xf32>
    %dot_general3A = arith.constant dense<0.000000e+00> : vector<256x768xf32>
    %dot_general3A_14 = tpu.matmul %get3A_8, %get3A_13, %dot_general3A {dimension_numbers = #tpu.dot_dimension_numbers<[1], [0], [0], [1], [0, 0, 1, 1], [], []>, transpose_lhs_hint = false} : vector<256x512xf32>, vector<512x768xf32>, vector<256x768xf32> -> vector<256x768xf32>
    %add3A = arith.addf %get3A_3, %dot_general3A_14 : vector<256x768xf32>
    %swap3A = arith.constant 0 : index
    %swap3A_15 = arith.constant 0 : index
    %swap3A_16 = vector.load %arg9[%swap3A, %swap3A_15] : memref<256x768xf32, #tpu.memory_space<vmem>>, vector<256x768xf32>
    tpu.vector_store %arg9[%swap3A, %swap3A_15], %add3A {strides = array<i32>} : memref<256x768xf32, #tpu.memory_space<vmem>>, vector<256x768xf32>,
    %eq3A_17 = arith.constant 3 : i32
    %eq3A_18 = arith.cmpi eq, %arg1, %eq3A_17 : i32
    %convert_element_type3A_19 = arith.extui %eq3A_18 : i1 to i32
    %cond3A_20 = arith.constant 0 : i32
    %cond3A_21 = arith.cmpi ne, %convert_element_type3A_19, %cond3A_20 : i32
    scf.if %cond3A_21 {
      %get3A_22 = arith.constant 0 : index
      %get3A_23 = arith.constant 0 : index
      %get3A_24 = vector.load %arg9[%get3A_22, %get3A_23] : memref<256x768xf32, #tpu.memory_space<vmem>>, vector<256x768xf32>
      %get3A_25 = arith.constant 0 : index
      %get3A_26 = arith.constant 0 : index
      %get3A_27 = vector.load %arg5[%get3A_25, %get3A_26] : memref<768x1xf32, #tpu.memory_space<vmem>>, vector<768x1xf32>
      %dot_general3A_28 = arith.constant dense<0.000000e+00> : vector<256x1xf32>
      %dot_general3A_29 = tpu.matmul %get3A_24, %get3A_27, %dot_general3A_28 {dimension_numbers = #tpu.dot_dimension_numbers<[1], [0], [0], [1], [0, 0, 1, 1], [], []>, transpose_lhs_hint = false} : vector<256x768xf32>, vector<768x1xf32>, vector<256x1xf32> -> vector<256x1xf32>
      %get3A_30 = arith.constant 0 : index
      %get3A_31 = arith.constant 0 : index
      %get3A_32 = arith.constant 0 : index
      %get3A_33 = vector.load %arg4[%get3A_30, %get3A_31, %get3A_32] : memref<1x256x768xf32, #tpu.memory_space<vmem>>, vector<1x256x768xf32>
      %get3A_34 = vector.shape_cast %get3A_33 : vector<1x256x768xf32> to vector<256x768xf32>
      %get3A_35 = arith.constant 0 : index
      %get3A_36 = arith.constant 0 : index
      %get3A_37 = vector.load %arg6[%get3A_35, %get3A_36] : memref<768x1xf32, #tpu.memory_space<vmem>>, vector<768x1xf32>
      %dot_general3A_38 = arith.constant dense<0.000000e+00> : vector<256x1xf32>
      %dot_general3A_39 = tpu.matmul %get3A_34, %get3A_37, %dot_general3A_38 {dimension_numbers = #tpu.dot_dimension_numbers<[1], [0], [0], [1], [0, 0, 1, 1], [], []>, transpose_lhs_hint = false} : vector<256x768xf32>, vector<768x1xf32>, vector<256x1xf32> -> vector<256x1xf32>
      %add3A_40 = arith.addf %dot_general3A_29, %dot_general3A_39 : vector<256x1xf32>
      %get3A_41 = arith.constant 0 : index
      %get3A_42 = arith.constant 0 : index
      %get3A_43 = vector.load %arg7[%get3A_41, %get3A_42] : memref<1x1xf32, #tpu.memory_space<vmem>>, vector<1x1xf32>
      %get3A_44 = vector.extract %get3A_43[0, 0] : f32 from vector<1x1xf32>
      %add3A_45 = vector.broadcast %get3A_44 : f32 to vector<256x1xf32>
      %add3A_46 = arith.addf %add3A_40, %add3A_45 : vector<256x1xf32>
      %logistic3A = arith.negf %add3A_46 : vector<256x1xf32>
      %logistic3A_47 = math.exp %logistic3A : vector<256x1xf32>
      %logistic3A_48 = arith.constant 1.000000e+00 : f32
      %logistic3A_49 = vector.broadcast %logistic3A_48 : f32 to vector<256x1xf32>
      %logistic3A_50 = arith.addf %logistic3A_49, %logistic3A_47 : vector<256x1xf32>
      %logistic3A_51 = arith.divf %logistic3A_49, %logistic3A_50 : vector<256x1xf32>
      %squeeze3A = vector.shape_cast %logistic3A_51 : vector<256x1xf32> to vector<256xf32>
      %swap3A_52 = arith.constant 0 : index
      %swap3A_53 = arith.constant 0 : index
      %swap3A_54 = arith.constant 0 : index
      %swap3A_55 = vector.load %arg8[%swap3A_52, %swap3A_53, %swap3A_54] : memref<1x1x256xf32, #tpu.memory_space<vmem>>, vector<1x1x256xf32>
      %swap3A_56 = vector.shape_cast %swap3A_55 : vector<1x1x256xf32> to vector<256xf32>
      %swap3A_57 = vector.shape_cast %squeeze3A : vector<256xf32> to vector<1x1x256xf32>
      tpu.vector_store %arg8[%swap3A_52, %swap3A_53, %swap3A_54], %swap3A_57 {strides = array<i32>} : memref<1x1x256xf32, #tpu.memory_space<vmem>>, vector<1x1x256xf32>,
    } else {
    }
    return
  }
  func.func @transform_0(%arg0: i32, %arg1: i32) -> (i32, i32, i32) {
    %c0_i32 = arith.constant 0 : i32
    %c0_i32_0 = arith.constant 0 : i32
    return %arg0, %c0_i32, %arg1 : i32, i32, i32
  }
  func.func @transform_1(%arg0: i32, %arg1: i32) -> (i32, i32, i32) {
    %c0_i32 = arith.constant 0 : i32
    %c0_i32_0 = arith.constant 0 : i32
    return %arg0, %arg1, %c0_i32 : i32, i32, i32
  }
  func.func @transform_2(%arg0: i32, %arg1: i32) -> (i32, i32, i32) {
    %c0_i32 = arith.constant 0 : i32
    %c0_i32_0 = arith.constant 0 : i32
    %c0_i32_1 = arith.constant 0 : i32
    return %arg0, %c0_i32, %c0_i32_0 : i32, i32, i32
  }
  func.func @transform_3(%arg0: i32, %arg1: i32) -> (i32, i32) {
    %c0_i32 = arith.constant 0 : i32
    %c0_i32_0 = arith.constant 0 : i32
    %c0_i32_1 = arith.constant 0 : i32
    return %c0_i32, %c0_i32_0 : i32, i32
  }
  func.func @transform_4(%arg0: i32, %arg1: i32) -> (i32, i32) {
    %c0_i32 = arith.constant 0 : i32
    %c0_i32_0 = arith.constant 0 : i32
    %c0_i32_1 = arith.constant 0 : i32
    return %c0_i32, %c0_i32_0 : i32, i32
  }
  func.func @transform_5(%arg0: i32, %arg1: i32) -> (i32, i32) {
    %c0_i32 = arith.constant 0 : i32
    %c0_i32_0 = arith.constant 0 : i32
    %c0_i32_1 = arith.constant 0 : i32
    return %c0_i32, %c0_i32_0 : i32, i32
  }
  func.func @transform_6(%arg0: i32, %arg1: i32) -> (i32, i32, i32) {
    %c0_i32 = arith.constant 0 : i32
    %c0_i32_0 = arith.constant 0 : i32
    %c0_i32_1 = arith.constant 0 : i32
    return %arg0, %c0_i32, %c0_i32_0 : i32, i32, i32
  }
}

</mosaic_0001>

<sc_bundles>
// kernel: kernel.4.cloned.1.call-start
scs
__scs_entry_jumppad:
0x0: {  	(pc) =	sbr.rel $0x88, $3  }
0x1: {  	(tag) =	ssettag $0x0;
	lr =	simm.s32 $0x1  }
0x2: {  	[smem:$0x3F9B] =	sst lr;
	_ =	strace $0xD0000000  }
0x3: {  	_ = 	snop  }
0x4: {  	_ = 	snop  }
0x5: {  	_ = 	snop  }
0x6: {  	_ = 	snop  }
0x7: {  	_ = 	snop  }
__scs_overlays_trampoline_lowered:
0x8: {  	[smem:$0x3FAA] =	sst s0  }
0x9: {  	[smem:$0x3FAB] =	sst s1  }
0xa: {  	[smem:$0x3FAC] =	sst s2  }
0xb: {  	[smem:$0x3FAD] =	sst s3  }
0xc: {  	[smem:$0x3FAE] =	sst s4  }
0xd: {  	[smem:$0x3FAF] =	sst s5  }
0xe: {  	[smem:$0x3FB0] =	sst s6  }
0xf: {  	[smem:$0x3FB1] =	sst s7  }
0x10: {  	[smem:$0x3FB2] =	sst s8  }
0x11: {  	[smem:$0x3FB3] =	sst s9;
	s0 =	simm.s32 @!p0 $0x0  }
0x12: {  	s1 =	sld [smem:$0x3F99];
	s0 =	simm.s32 @p0 $0x1  }
0x13: {  	[smem:$0x3FB4] =	sst s0;
	s0 =	simm.s32 @!p1 $0x0  }
0x14: {  	s2 =	sld [smem:$0x3F98];
	s0 =	simm.s32 @p1 $0x1  }
0x15: {  	[smem:$0x3FB5] =	sst s0;
	s0 =	simm.s32 @!p2 $0x0  }
0x16: {  	s3 =	sld [smem:$0x3FDB];
	s0 =	simm.s32 @p2 $0x1  }
0x17: {  	s4 =	simm.s32 $0x1BF5;
	[smem:$0x3FB7] =	sst s0  }
0x18: {  	s0 =	sld [smem:$0x3F9A];
	_ =	swait.ge [sflag:s4], $0x0  }
0x19: {  	s7 =	sld [smem:$0x3F9B]  }
0x1a: {  	s8 =	sadd.s32 $0xFFFFE003, lr  }
0x1b: {  	s9 =	sadd.s32 $0xFFFFFEF7, lr;
	s5 =	simm.s32 $0xFFFFFFFF;
	p2 =	slt.u32 s8, $0xFFFFF086  }
0x1c: {  	p1 =	slt.u32 s9, $0xF7A;
	s5 =	simm.s32 @!p2 $0x0  }
0x1d: {  	s5 =	simm.s32 @p1 $0x1;
	p0 =	seq.s32 s7, s2  }
0x1e: {  	s7 =	smul.u32 @!p0 $0xF7A, s2;
	p2 =	seq.s32 @!p0 s5, $0x0  }
0x1f: {  	s9 =	smul.u32 $0xF7A, s1;
	s8 =	simm.s32 @!p0 $0x1BF5;
	p2 =	por !p2, p0  }
0x20: {  	[sflag:s8] =	ssyncset.s32 @!p0 $0xFFFFF086;
	s6 =	sadd.s32 @!p0 s3, s7;
	s7 =	simm.s32 @!p0 $0x108  }
0x21: {  	s3 =	sadd.s32 s3, s9;
	s6 =	sadd.s32 @!p0 $0x88, s6;
	s7 =	simm.s32 @p2 $0x1082  }
0x22: {  	[simem:s7], [sflag:s8] =	dma.local @!p0 [hbm:s6], $0xF7A  }
0x23: {  	s9 =	sor.u32 $0xD0000000, s2;
	s6 =	simm.s32 $0x108;
	_ =	swait.ge @!p0 [sflag:s8], $0x0  }
0x24: {  	s3 =	sadd.s32 $0x88, s3;
	s6 =	simm.s32 @!p1 $0x1082;
	[sflag:s4] =	ssyncset.s32 $0xFFFFF086  }
0x25: {  	[simem:s6], [sflag:s4] =	dma.local [hbm:s3], $0xF7A  }
0x26: {  	[smem:$0x3F9B] =	sst s1;
	(tag) =	ssettag s2;
	_ =	strace s9  }
0x27: {  	s1 =	sld [smem:$0x3FAB]  }
0x28: {  	s2 =	sld [smem:$0x3FAC]  }
0x29: {  	s4 =	sld [smem:$0x3FAE]  }
0x2a: {  	p0 =	seq.s32 s5, $0x0;
	s5 =	sld [smem:$0x3FAF]  }
0x2b: {  	s6 =	sld [smem:$0x3FB0]  }
0x2c: {  	s7 =	sld [smem:$0x3FB1]  }
0x2d: {  	s3 =	simm.s32 $0x108;
	s8 =	sld [smem:$0x3FB2]  }
0x2e: {  	s3 =	simm.s32 @!p0 $0x1082;
	s9 =	sld [smem:$0x3FB3]  }
0x2f: {  	lr =	sadd.s32 s0, s3;
	s0 =	sld [smem:$0x3FAA]  }
0x30: {  	s3 =	sld [smem:$0x3FAD]  }
0x31: {  	[smem:$0x3FB6] =	sst s10  }
0x32: {  	s10 =	sld [smem:$0x3FB4];
	_ =	sdelay $0x3  }
0x33: {  	p0 =	seq.s32 s10, $0x1;
	s10 =	sld [smem:$0x3FB6];
	_ =	sdelay $0x3  }
0x34: {  	[smem:$0x3FB6] =	sst s10  }
0x35: {  	s10 =	sld [smem:$0x3FB5];
	_ =	sdelay $0x3  }
0x36: {  	p1 =	seq.s32 s10, $0x1;
	s10 =	sld [smem:$0x3FB6];
	_ =	sdelay $0x3  }
0x37: {  	[smem:$0x3FB6] =	sst s10  }
0x38: {  	s10 =	sld [smem:$0x3FB7]  }
0x39: {  	_ = 	snop;
	(pc) =	sbr.ind lr, $3  }
0x3a: {  	_ = 	snop  }
0x3b: {  	_ = 	snop  }
0x3c: {  	p2 =	seq.s32 s10, $0x1;
	s10 =	sld [smem:$0x3FB6]  }
0x3d: {  	_ =	shalt  }
0x3e: {  	_ =	shalt  }
0x3f: {  	_ =	shalt  }
0x40: {  	_ =	shalt  }
0x41: {  	_ =	shalt  }
0x42: {  	_ =	shalt  }
0x43: {  	_ =	shalt  }
0x44: {  	_ =	shalt  }
0x45: {  	_ =	shalt  }
0x46: {  	_ =	shalt  }
0x47: {  	_ =	shalt  }
0x48: {  	_ =	shalt  }
0x49: {  	_ =	shalt  }
0x4a: {  	_ =	shalt  }
0x4b: {  	_ =	shalt  }
0x4c: {  	_ =	shalt  }
0x4d: {  	_ =	shalt  }
0x4e: {  	_ =	shalt  }
0x4f: {  	_ =	shalt  }
0x50: {  	_ =	shalt  }
0x51: {  	_ =	shalt  }
0x52: {  	_ =	shalt  }
0x53: {  	_ =	shalt  }
0x54: {  	_ =	shalt  }
0x55: {  	_ =	shalt  }
0x56: {  	_ =	shalt  }
0x57: {  	_ =	shalt  }
0x58: {  	_ =	shalt  }
0x59: {  	_ =	shalt  }
0x5a: {  	_ =	shalt  }
0x5b: {  	_ =	shalt  }
0x5c: {  	_ =	shalt  }
0x5d: {  	_ =	shalt  }
0x5e: {  	_ =	shalt  }
0x5f: {  	_ =	shalt  }
0x60: {  	_ =	shalt  }
0x61: {  	_ =	shalt  }
0x62: {  	_ =	shalt  }
0x63: {  	_ =	shalt  }
0x64: {  	_ =	shalt  }
0x65: {  	_ =	shalt  }
0x66: {  	_ =	shalt  }
0x67: {  	_ =	shalt  }
0x68: {  	_ =	shalt  }
0x69: {  	_ =	shalt  }
0x6a: {  	_ =	shalt  }
0x6b: {  	_ =	shalt  }
0x6c: {  	_ =	shalt  }
0x6d: {  	_ =	shalt  }
0x6e: {  	_ =	shalt  }
0x6f: {  	_ =	shalt  }
0x70: {  	_ =	shalt  }
0x71: {  	_ =	shalt  }
0x72: {  	_ =	shalt  }
0x73: {  	_ =	shalt  }
0x74: {  	_ =	shalt  }
0x75: {  	_ =	shalt  }
0x76: {  	_ =	shalt  }
0x77: {  	_ =	shalt  }
0x78: {  	_ =	shalt  }
0x79: {  	_ =	shalt  }
0x7a: {  	_ =	shalt  }
0x7b: {  	_ =	shalt  }
0x7c: {  	_ =	shalt  }
0x7d: {  	_ =	shalt  }
0x7e: {  	_ =	shalt  }
0x7f: {  	_ =	shalt  }
0x80: {  	_ =	shalt  }
0x81: {  	_ =	shalt  }
0x82: {  	_ =	shalt  }
0x83: {  	_ =	shalt  }
0x84: {  	_ =	shalt  }
0x85: {  	_ =	shalt  }
0x86: {  	_ =	shalt  }
0x87: {  	_ =	shalt  }
.Lfunc_end0:
.L_simem_size_0:
called_computation_lowered:
.L_overlay_start_0:
0x88: {  	s2 =	sld [smem:$0x3FD9]  }
0x89: {  	s3 =	sld [smem:$0x3FFE];
	_ =	sdelay $0x1  }
0x8a: {  	s1 =	srdreg.scid  }
0x8b: {  	s0 =	sand.u32 $0x1, s1  }
0x8c: {  	s17 =	sshll.u32 s0, $0xA;
	s2 =	sadd.s32 s3, s2  }
0x8d: {  	s2 =	sadd.s32 s2, s17  }
0x8e: {  	[smem:$0x3FC2] =	sst s2  }
0x8f: {  	_ = 	snop  }
0x90: {  	s2 =	sld [smem:$0x3FC9]  }
0x91: {  	s18 =	sld [smem:$0x3FC8];
	(tm) =	ssettm $0x1  }
0x92: {  	s4 =	sld [smem:$0x3FFB];
	_ =	sdelay $0x3  }
0x93: {  	_ =	strace s4  }
0x94: {  	s4 =	sld [smem:$0x3FFC];
	_ =	sdelay $0x3  }
0x95: {  	_ =	strace s4  }
0x96: {  	s4 =	sld [smem:$0x3FFD];
	_ =	sdelay $0x3  }
0x97: {  	_ =	strace s4  }
0x98: {  	_ =	strace $0x8FFFFFFF  }
0x99: {  	s19 =	sld [smem:$0x3FDB];
	_ =	sdelay $0x1  }
0x9a: {  	s5 =	simm.s32 $_scs_section_size  }
0x9b: {  	s6 =	simm.s32 $_size__tile_overlayer_lowered;
	s7 =	simm.s32 $_tile_overlayer_lowered  }
0x9c: {  	s22 =	simm.s32 $0x1BFF;
	s21 =	sshll.u32 s7, $0x1;
	s4 =	sadd.s32 s5, s19  }
0x9d: {  	s8 =	simm.s32 $0x0;
	s20 =	sshll.u32 s6, $0x1;
	s6 =	sadd.s32 s21, s4  }
0x9e: {  	[timem:s8], [sflag:s22] =	dma.local [hbm:s6], s20  }
0x9f: {  	_ =	swait.ge [sflag:s22], s20  }
0xa0: {  	s5 =	ssub.s32 $0x0, s20;
	[sflag:s22] =	ssyncset.done $0x0  }
0xa1: {  	[sflag:s22] =	ssyncadd.s32 s5;
	_ =	sdelay $0x1  }
0xa2: {  	s23 =	simm.s32 $0x1B8B  }
0xa3: {  	_ =	swait.ge [sflag:s23], $0x1  }
0xa4: {  	[sflag:s23] =	ssyncset.done $0x0  }
0xa5: {  	s25 =	simm.s32 $0x1B8E;
	s24 =	sld [smem:$0x3FFE];
	[sflag:s23] =	ssyncadd.s32 $0xFFFFFFFF  }
0xa6: {  	s26 =	simm.s32 $execute0_lowered;
	[smem:$0x3FD2] =	sst s25  }
0xa7: {  	s6 =	sshll.u32 s26, $0x1;
	_ =	strace $0x80000046;
	[dreg:$0x1] =	wrdreg $0xFFFFFFFF  }
0xa8: {  	s28 =	simm.s32 $_size_execute0_lowered;
	s4 =	sadd.s32 s4, s6;
	[dreg:$0x0] =	wrdreg $0x0  }
0xa9: {  	s6 =	sshll.u32 s28, $0x1;
	[dreg:$0x2] =	wrdreg s4  }
0xaa: {  	[dreg:$0x3] =	wrdreg s6  }
0xab: {  	[dreg:$0x4] =	wrdreg $0xC0  }
0xac: {  	_ =	task [dreg:s8], $0x5FFFF  }
0xad: {  	[dreg:$0x1] =	wrdreg $0xFFFFFFFF  }
0xae: {  	[dreg:$0x0] =	wrdreg $0x60  }
0xaf: {  	[dreg:$0x2] =	wrdreg s2  }
0xb0: {  	[dreg:$0x3] =	wrdreg s18  }
0xb1: {  	[dreg:$0x4] =	wrdreg s24  }
0xb2: {  	[dreg:$0x5] =	wrdreg $0x9  }
0xb3: {  	_ =	task.clear_ibuf [dreg:s8], $0x6FFFF;
	_ =	strace $0x90000046  }
0xb4: {  	s29 =	simm.s32 $0x9;
	_ =	strace $0x80000048  }
0xb5: {  	_ =	swait.ge [sflag:s29], $0x1  }
0xb6: {  	[sflag:s29] =	ssyncadd.s32 $0xFFFFFFFF  }
0xb7: {  	_ =	strace $0x90000048  }
0xb8: {  	_ =	sfence  }
0xb9: {  	s30 =	sld [smem:$0x0];
	_ =	sdelay $0x2  }
0xba: {  	s31 =	sshll.u32 s1, $0xD;
	s1 =	sshrl.u32 s1, $0x2  }
0xbb: {  	s3 =	sand.u32 $0x4000, s31;
	s1 =	sadd.s32 s1, s30  }
0xbc: {  	s0 =	sor.u32 s3, s0;
	s1 =	sshll.u32 s1, $0x11  }
0xbd: {  	s0 =	sor.u32 s1, s0  }
0xbe: {  	s0 =	sadd.s32 $0x8F2B, s0  }
0xbf: {  	[sflag:s0] =	ssyncadd.remote.s32 $0x1  }
0xc0: {  	_ =	sfence.sel $0xFFFF  }
0xc1: {  	[dreg:$0x0] =	wrdreg $0xFFFFFFFF;
	(pc) =	sbr.abs _section_cstart, $3  }
0xc2: {  	[dreg:$0x1] =	wrdreg $0xFFFFFFFF  }
0xc3: {  	_ =	task.clear_ibuf [dreg:s8], $0x2FFFF;
	_ =	strace $0x9FFFFFFF  }
0xc4: {  	(tm) =	ssettm $0x7FFFFFFF  }
0xc5: {  	_ =	shalt  }
tec
execute0_lowered:
.L_overlay_start_1:
0x0: {  	(tag) =	ssettag $0x1  }
0x1: {  	s0 =	rddreg [dreg:$0x0]  }
0x2: {  	s1 =	rddreg [dreg:$0x1]  }
0x3: {  	s3 =	rddreg [dreg:$0x2]  }
0x4: {  	s6 =	stileid.u32;
	s4 =	srdreg.scid;
	s2 =	simm.s32 $0x0  }
0x5: {  	s15 =	simm.s32 $0x6;
	s20 =	simm.s32 $0x1;
	s21 =	simm.s32 $0x10800  }
0x6: {  	s22 =	simm.s32 $0x2;
	s23 =	simm.s32 $0x12800;
	s28 =	simm.s32 $0x16800  }
0x7: {  	s29 =	simm.s32 $0x5;
	s30 =	simm.s32 $0x0;
	s5 =	sshll.u32 s6, $0x1  }
0x8: {  	s4 =	sand.u32 $0x1, s4;
	[smem:$0x7FF] =	sst s2;
	s6 =	sshrl.u32 s6, $0x2  }
0x9: {  	s5 =	sand.u32 $0x6, s5;
	_ =	strace $0x80000047;
	s7 =	sshll.u32 s6, $0xF  }
0xa: {  	s24 =	sshll.u32 s6, $0x10;
	s6 =	sshll.u32 s6, $0x4;
	s5 =	sor.u32 s4, s5  }
0xb: {  	s4 =	ssub.s32 $0x2, s4;
	s8 =	sshll.u32 s5, $0xC;
	s5 =	sshll.u32 s5, $0xD  }
0xc: {  	s26 =	sshrl.u32 s4, $0x1;
	s7 =	sor.u32 s7, s8;
	s25 =	sor.u32 s24, s5  }
0xd: {  	s31 =	ssub.s32 s4, s26;
	s4 =	sadd.s32 s0, s6;
	s24 =	simm.s32 $0x3  }
0xe: {  	s26 =	simm.s32 $0x4;
	s11 =	sadd.s32 s7, s3;
	s3 =	sadd.s32 s1, s25  }
0xf: {  	s12 =	smax.u32 s31, $0x1;
	s25 =	simm.s32 $0x14800;
	s5 =	sadd.s32 $0x800, s3  }
0x10: {  	s6 =	sadd.s32 $0x1000, s3;
	s7 =	sadd.s32 $0x1800, s3;
	s8 =	sadd.s32 $0x1200, s11  }
0x11: {  	v0 =	vimm.f32 $0.0e+00;
	s9 =	sadd.s32 $0x1600, s11;
	s10 =	sadd.s32 $0x1A00, s11;
	s11 =	sadd.s32 $0x1E00, s11  }
.LBB2_1:
0x12: {  	s0 =	simm.s32 $0x80;
	s1 =	simm.s32 $0x200  }
0x13: {  	[tilespmem:s2], [sflag:$0x6] =	stream.strided.gather [hbm4b:s4+s0], $0x800, s1, s0, $0x38;
	[tilespmem:$0x18800] =	vst v63  }
0x14: {  	_ =	swait.ge [sflag:s15], $0x800  }
0x15: {  	[sflag:s15] =	ssyncset.done $0x0  }
0x16: {  	s13 =	simm.s32 $0x800;
	[sflag:s15] =	ssyncadd.s32 $0xFFFFF800  }
0x17: {  	[tilespmem:s13], [sflag:$0x1] =	stream.linear.gather [hbm4b:s3+s2], $0x4000, $0x38;
	[tilespmem:$0x18800] =	vst v63  }
0x18: {  	s14 =	simm.s32 $0x4800  }
0x19: {  	[tilespmem:s14], [sflag:$0x2] =	stream.linear.gather [hbm4b:s5+s2], $0x4000, $0x38;
	[tilespmem:$0x18800] =	vst v63  }
0x1a: {  	s16 =	simm.s32 $0x8800;
	s18 =	simm.s32 $0x0  }
0x1b: {  	[tilespmem:s16], [sflag:$0x3] =	stream.linear.gather [hbm4b:s6+s2], $0x4000, $0x38;
	[tilespmem:$0x18800] =	vst v63  }
0x1c: {  	s17 =	simm.s32 $0xC800;
	s0 =	sand.u32 $0x6000, s18;
	s16 =	sand.u32 $0x380, s2  }
0x1d: {  	s1 =	sor.u32 $0x10800, s0;
	s13 =	simm.s32 $0x0;
	s14 =	sshll.u32 s16, $0x3  }
0x1e: {  	[tilespmem:s17], [sflag:$0x4] =	stream.linear.gather [hbm4b:s7+s2], $0x4000, $0x38;
	[tilespmem:$0x18800] =	vst v63  }
0x1f: {  	s31 =	simm.s32 $0x1;
	s0 =	sand.u32 $0x380, s13;
	s19 =	sadd.s32 s14, s1  }
0x20: {  	s17 =	sor.u32 $0x60, s16;
	s14 =	simm.s32 $0x0;
	s13 =	sor.u32 s0, s19  }
.LBB2_2:
0x21: {  	p0 =	sne.s32 s31, $0xFF;
	[tilespmem:s13+$0x10] =	vst v0;
	s17 =	smin.u32 s17, $0x3D8;
	s16 =	sor.u32 $0x70, s16  }
0x22: {  	s14 =	sadd.s32 $0x80, s14;
	[tilespmem:s13+$0x20] =	vst v0;
	s18 =	sshll.u32 s17, $0x3;
	s16 =	smin.u32 s16, $0x3D8  }
0x23: {  	s17 =	sand.u32 $0x78, s17;
	[tilespmem:s13+$0x30] =	vst v0;
	s18 =	sand.u32 $0x1C00, s18;
	s19 =	sshll.u32 s16, $0x3  }
0x24: {  	s16 =	sand.u32 $0x78, s16;
	[tilespmem:s13+$0x40] =	vst v0;
	s17 =	sor.u32 s17, s18;
	s18 =	sand.u32 $0x1C00, s19  }
0x25: {  	[tilespmem:s13+$0x50] =	vst v0;
	s17 =	sadd.s32 s17, s1;
	s16 =	sor.u32 s16, s18;
	s18 =	sshll.u32 s31, $0x7  }
.Ltmp0:
0x26: {  	[tilespmem:s13+$0x0] =	vst v0;
	s13 =	sor.u32 s0, s17;
	s1 =	sadd.s32 s16, s1;
	(pc) =	sbr.rel @p0 .LBB2_2-.Ltmp0, $4  }
0x27: {  	s16 =	sand.u32 $0x380, s14;
	s17 =	sand.u32 $0x6000, s18;
	[tilespmem:s13+$0x0] =	vst v0;
	s0 =	sor.u32 s0, s1  }
0x28: {  	s13 =	sshll.u32 s31, $0x4;
	s1 =	sor.u32 $0x10800, s17;
	s17 =	sshll.u32 s16, $0x3;
	[tilespmem:s0+$0x0] =	vst v0  }
0x29: {  	s0 =	sand.u32 $0x380, s13;
	s13 =	sadd.s32 s17, s1  }
0x2a: {  	s31 =	sadd.s32 $0x1, s31;
	s17 =	sor.u32 $0x60, s16;
	s13 =	sor.u32 s0, s13  }
0x2b: {  	[tilespmem:s13+$0x10] =	vst v0;
	s14 =	smin.u32 s17, $0x3D8;
	s16 =	sor.u32 $0x70, s16  }
0x2c: {  	[tilespmem:s13+$0x20] =	vst v0;
	s17 =	sshll.u32 s14, $0x3;
	s16 =	smin.u32 s16, $0x3D8  }
0x2d: {  	[tilespmem:s13+$0x30] =	vst v0;
	s14 =	sand.u32 $0x78, s14;
	s17 =	sand.u32 $0x1C00, s17;
	s18 =	sshll.u32 s16, $0x3  }
0x2e: {  	[tilespmem:s13+$0x40] =	vst v0;
	s16 =	sand.u32 $0x78, s16;
	s14 =	sor.u32 s14, s17;
	s19 =	sand.u32 $0x1C00, s18  }
0x2f: {  	[tilespmem:s13+$0x50] =	vst v0;
	s14 =	sadd.s32 s14, s1;
	s16 =	sor.u32 s16, s19  }
0x30: {  	[tilespmem:s13+$0x0] =	vst v0;
	s18 =	sor.u32 s0, s14;
	s19 =	sadd.s32 s16, s1  }
0x31: {  	[tilespmem:s18+$0x0] =	vst v0;
	s14 =	sor.u32 s0, s19  }
0x32: {  	[tilespmem:s14+$0x0] =	vst v0  }
0x33: {  	_ =	swait.ge [sflag:s20], $0x4000  }
0x34: {  	[sflag:s20] =	ssyncset.done $0x0  }
0x35: {  	s31 =	simm.s32 $0x0;
	[sflag:s20] =	ssyncadd.s32 $0xFFFFC000  }
0x36: {  	v1 =	vld [tilespmem:s31+$0x0];
	_ =	sdelay $0x4  }
0x37: {  	s17 =	sand.u32 $0x3C00, s31;
	s16 =	sand.u32 $0x70, s31;
	v2 =	vshll.u32 v1, $0x3  }
0x38: {  	s0 =	sor.u32 s16, s17;
	v1 =	vand.u32 $0x7F, v1;
	v2 =	vand.u32 $0xFFFFFC00, v2  }
0x39: {  	v3 =	vld [tilespmem:s0+$0x800];
	v2 =	vor.u32 v1, v2;
	_ =	sdelay $0x4  }
0x3a: {  	[tilespmem:v2+s21+$0x0] =	vst.idx.add.f32.msk $0xffff, v3  }
0x3b: {  	v3 =	vor.u32 $0x80, v2;
	v1 =	vld [tilespmem:s0+$0x880];
	_ =	sdelay $0x4  }
0x3c: {  	[tilespmem:v3+s21+$0x0] =	vst.idx.add.f32.msk $0xffff, v1  }
0x3d: {  	v3 =	vor.u32 $0x100, v2;
	v1 =	vld [tilespmem:s0+$0x900];
	_ =	sdelay $0x4  }
0x3e: {  	[tilespmem:v3+s21+$0x0] =	vst.idx.add.f32.msk $0xffff, v1  }
0x3f: {  	v3 =	vor.u32 $0x180, v2;
	v1 =	vld [tilespmem:s0+$0x980];
	_ =	sdelay $0x4  }
0x40: {  	[tilespmem:v3+s21+$0x0] =	vst.idx.add.f32.msk $0xffff, v1  }
0x41: {  	v3 =	vor.u32 $0x200, v2;
	v1 =	vld [tilespmem:s0+$0xA00];
	_ =	sdelay $0x4  }
0x42: {  	[tilespmem:v3+s21+$0x0] =	vst.idx.add.f32.msk $0xffff, v1  }
0x43: {  	v3 =	vor.u32 $0x280, v2;
	v1 =	vld [tilespmem:s0+$0xA80];
	_ =	sdelay $0x4  }
0x44: {  	[tilespmem:v3+s21+$0x0] =	vst.idx.add.f32.msk $0xffff, v1  }
0x45: {  	v3 =	vor.u32 $0x300, v2;
	v1 =	vld [tilespmem:s0+$0xB00];
	_ =	sdelay $0x1  }
0x46: {  	s18 =	sand.u32 $0x7, s31  }
0x47: {  	s0 =	sshll.u32 s18, $0x4  }
0x48: {  	s0 =	sadd.s32 $0x0, s0  }
0x49: {  	s19 =	sor.u32 $0x380, s0;
	[tilespmem:v3+s21+$0x0] =	vst.idx.add.f32.msk $0xffff, v1  }
0x4a: {  	s13 =	simm.s32 $0x0;
	s1 =	simm.s32 $0x0;
	v2 =	vor.u32 $0x380, v2;
	s0 =	simm.s32 $0x10;
	v1 =	vld [tilespmem:s19+$0x800]  }
.LBB2_4:
0x4b: {  	_ =	sdelay $0x3  }
0x4c: {  	s31 =	sadd.s32 $0x80, s31;
	s1 =	sadd.s32 $0x1, s1;
	s13 =	sadd.s32 $0x10, s13;
	[tilespmem:v2+s21+$0x0] =	vst.idx.add.f32.msk $0xffff, v1  }
0x4d: {  	p0 =	sne.s32 s0, $0x7F0;
	s14 =	smov.u32 s0;
	s0 =	sadd.s32 $0x10, s0;
	v1 =	vld [tilespmem:s13+$0x0]  }
0x4e: {  	_ =	sdelay $0x3  }
0x4f: {  	s14 =	sand.u32 $0x70, s14;
	s16 =	sand.u32 $0x3C00, s31;
	v2 =	vshll.u32 v1, $0x3  }
0x50: {  	s14 =	sor.u32 s14, s16;
	v1 =	vand.u32 $0x7F, v1;
	v2 =	vand.u32 $0xFFFFFC00, v2  }
0x51: {  	v3 =	vld [tilespmem:s14+$0x800];
	v2 =	vor.u32 v1, v2;
	_ =	sdelay $0x4  }
0x52: {  	[tilespmem:v2+s21+$0x0] =	vst.idx.add.f32.msk $0xffff, v3  }
0x53: {  	v3 =	vor.u32 $0x80, v2;
	v1 =	vld [tilespmem:s14+$0x880];
	_ =	sdelay $0x4  }
0x54: {  	[tilespmem:v3+s21+$0x0] =	vst.idx.add.f32.msk $0xffff, v1  }
0x55: {  	v3 =	vor.u32 $0x100, v2;
	v1 =	vld [tilespmem:s14+$0x900];
	_ =	sdelay $0x4  }
0x56: {  	[tilespmem:v3+s21+$0x0] =	vst.idx.add.f32.msk $0xffff, v1  }
0x57: {  	v3 =	vor.u32 $0x180, v2;
	v1 =	vld [tilespmem:s14+$0x980];
	_ =	sdelay $0x4  }
0x58: {  	[tilespmem:v3+s21+$0x0] =	vst.idx.add.f32.msk $0xffff, v1  }
0x59: {  	v3 =	vor.u32 $0x200, v2;
	v1 =	vld [tilespmem:s14+$0xA00];
	_ =	sdelay $0x4  }
0x5a: {  	[tilespmem:v3+s21+$0x0] =	vst.idx.add.f32.msk $0xffff, v1  }
0x5b: {  	v3 =	vor.u32 $0x280, v2;
	v1 =	vld [tilespmem:s14+$0xA80];
	_ =	sdelay $0x4  }
0x5c: {  	[tilespmem:v3+s21+$0x0] =	vst.idx.add.f32.msk $0xffff, v1  }
0x5d: {  	v3 =	vor.u32 $0x300, v2;
	v1 =	vld [tilespmem:s14+$0xB00];
	_ =	sdelay $0x1  }
.Ltmp1:
0x5e: {  	s14 =	sand.u32 $0x7, s1;
	(pc) =	sbr.rel @p0 .LBB2_4-.Ltmp1, $4  }
0x5f: {  	s14 =	sshll.u32 s14, $0x4  }
0x60: {  	s14 =	sadd.s32 s14, s31  }
0x61: {  	s14 =	sor.u32 $0x380, s14;
	[tilespmem:v3+s21+$0x0] =	vst.idx.add.f32.msk $0xffff, v1  }
0x62: {  	v2 =	vor.u32 $0x380, v2;
	v1 =	vld [tilespmem:s14+$0x800]  }
0x63: {  	_ =	sdelay $0x3  }
0x64: {  	s31 =	simm.s32 $0x0;
	[tilespmem:v2+s21+$0x0] =	vst.idx.add.f32.msk $0xffff, v1  }
0x65: {  	[hbm4b:s8+s31] =	stream.linear.scatter [tilespmem:s21], [sflag:$0x5], $0x2000, $0x38;
	[tilespmem:$0x18800] =	vst v63  }
0x66: {  	_ =	swait.ge [sflag:s22], $0x4000  }
0x67: {  	[sflag:s22] =	ssyncset.done $0x0  }
0x68: {  	[sflag:s22] =	ssyncadd.s32 $0xFFFFC000  }
0x69: {  	v1 =	vld [tilespmem:s31+$0x0];
	_ =	sdelay $0x4  }
0x6a: {  	v2 =	vshll.u32 v1, $0x3  }
0x6b: {  	s0 =	sand.u32 $0x70, s31;
	s1 =	sand.u32 $0x3C00, s31;
	v1 =	vand.u32 $0x7F, v1;
	v2 =	vand.u32 $0xFFFFFC00, v2  }
0x6c: {  	s1 =	sor.u32 s0, s1;
	v2 =	vor.u32 v1, v2  }
0x6d: {  	v1 =	vld [tilespmem:s1+$0x4800];
	v3 =	vadd.s32 $0x2000, v2;
	_ =	sdelay $0x4  }
0x6e: {  	[tilespmem:v3+s21+$0x0] =	vst.idx.add.f32.msk $0xffff, v1  }
0x6f: {  	v3 =	vadd.s32 $0x2080, v2;
	v1 =	vld [tilespmem:s1+$0x4880];
	_ =	sdelay $0x4  }
0x70: {  	[tilespmem:v3+s21+$0x0] =	vst.idx.add.f32.msk $0xffff, v1  }
0x71: {  	v3 =	vadd.s32 $0x2100, v2;
	v1 =	vld [tilespmem:s1+$0x4900];
	_ =	sdelay $0x4  }
0x72: {  	[tilespmem:v3+s21+$0x0] =	vst.idx.add.f32.msk $0xffff, v1  }
0x73: {  	v3 =	vadd.s32 $0x2180, v2;
	v1 =	vld [tilespmem:s1+$0x4980];
	_ =	sdelay $0x4  }
0x74: {  	[tilespmem:v3+s21+$0x0] =	vst.idx.add.f32.msk $0xffff, v1  }
0x75: {  	v3 =	vadd.s32 $0x2200, v2;
	v1 =	vld [tilespmem:s1+$0x4A00];
	_ =	sdelay $0x4  }
0x76: {  	[tilespmem:v3+s21+$0x0] =	vst.idx.add.f32.msk $0xffff, v1  }
0x77: {  	v3 =	vadd.s32 $0x2280, v2;
	v1 =	vld [tilespmem:s1+$0x4A80];
	_ =	sdelay $0x4  }
0x78: {  	[tilespmem:v3+s21+$0x0] =	vst.idx.add.f32.msk $0xffff, v1  }
0x79: {  	v3 =	vadd.s32 $0x2300, v2;
	v1 =	vld [tilespmem:s1+$0x4B00];
	_ =	sdelay $0x4  }
0x7a: {  	[tilespmem:v3+s21+$0x0] =	vst.idx.add.f32.msk $0xffff, v1  }
0x7b: {  	s0 =	simm.s32 $0x10;
	v2 =	vadd.s32 $0x2380, v2;
	v1 =	vld [tilespmem:s1+$0x4B80];
	s1 =	simm.s32 $0x0  }
.LBB2_6:
0x7c: {  	_ =	sdelay $0x3  }
0x7d: {  	p0 =	sne.s32 s0, $0x7F0;
	s31 =	sadd.s32 $0x80, s31;
	s1 =	sadd.s32 $0x10, s1;
	[tilespmem:v2+s21+$0x0] =	vst.idx.add.f32.msk $0xffff, v1  }
0x7e: {  	s13 =	smov.u32 s0;
	s0 =	sadd.s32 $0x10, s0;
	v1 =	vld [tilespmem:s1+$0x0];
	_ =	sdelay $0x4  }
0x7f: {  	v2 =	vshll.u32 v1, $0x3  }
0x80: {  	s13 =	sand.u32 $0x70, s13;
	s14 =	sand.u32 $0x3C00, s31;
	v1 =	vand.u32 $0x7F, v1;
	v2 =	vand.u32 $0xFFFFFC00, v2  }
0x81: {  	s13 =	sor.u32 s13, s14;
	v2 =	vor.u32 v1, v2  }
0x82: {  	v1 =	vld [tilespmem:s13+$0x4800];
	v3 =	vadd.s32 $0x2000, v2;
	_ =	sdelay $0x4  }
0x83: {  	[tilespmem:v3+s21+$0x0] =	vst.idx.add.f32.msk $0xffff, v1  }
0x84: {  	v3 =	vadd.s32 $0x2080, v2;
	v1 =	vld [tilespmem:s13+$0x4880];
	_ =	sdelay $0x4  }
0x85: {  	[tilespmem:v3+s21+$0x0] =	vst.idx.add.f32.msk $0xffff, v1  }
0x86: {  	v3 =	vadd.s32 $0x2100, v2;
	v1 =	vld [tilespmem:s13+$0x4900];
	_ =	sdelay $0x4  }
0x87: {  	[tilespmem:v3+s21+$0x0] =	vst.idx.add.f32.msk $0xffff, v1  }
0x88: {  	v3 =	vadd.s32 $0x2180, v2;
	v1 =	vld [tilespmem:s13+$0x4980];
	_ =	sdelay $0x4  }
0x89: {  	[tilespmem:v3+s21+$0x0] =	vst.idx.add.f32.msk $0xffff, v1  }
0x8a: {  	v3 =	vadd.s32 $0x2200, v2;
	v1 =	vld [tilespmem:s13+$0x4A00];
	_ =	sdelay $0x4  }
0x8b: {  	[tilespmem:v3+s21+$0x0] =	vst.idx.add.f32.msk $0xffff, v1  }
0x8c: {  	v3 =	vadd.s32 $0x2280, v2;
	v1 =	vld [tilespmem:s13+$0x4A80];
	_ =	sdelay $0x4  }
0x8d: {  	[tilespmem:v3+s21+$0x0] =	vst.idx.add.f32.msk $0xffff, v1  }
0x8e: {  	v3 =	vadd.s32 $0x2300, v2;
	v1 =	vld [tilespmem:s13+$0x4B00];
	_ =	sdelay $0x1  }
.Ltmp2:
0x8f: {  	(pc) =	sbr.rel @p0 .LBB2_6-.Ltmp2, $3  }
0x90: {  	_ =	sdelay $0x1  }
0x91: {  	[tilespmem:v3+s21+$0x0] =	vst.idx.add.f32.msk $0xffff, v1  }
0x92: {  	v2 =	vadd.s32 $0x2380, v2;
	v1 =	vld [tilespmem:s13+$0x4B80]  }
0x93: {  	_ =	sdelay $0x3  }
0x94: {  	s31 =	simm.s32 $0x0;
	[tilespmem:v2+s21+$0x0] =	vst.idx.add.f32.msk $0xffff, v1  }
0x95: {  	[hbm4b:s9+s31] =	stream.linear.scatter [tilespmem:s23], [sflag:$0x5], $0x2000, $0x38;
	[tilespmem:$0x18800] =	vst v63  }
0x96: {  	_ =	swait.ge [sflag:s24], $0x4000  }
0x97: {  	[sflag:s24] =	ssyncset.done $0x0  }
0x98: {  	[sflag:s24] =	ssyncadd.s32 $0xFFFFC000  }
0x99: {  	v1 =	vld [tilespmem:s31+$0x0];
	_ =	sdelay $0x4  }
0x9a: {  	v2 =	vshll.u32 v1, $0x3  }
0x9b: {  	s0 =	sand.u32 $0x70, s31;
	s1 =	sand.u32 $0x3C00, s31;
	v1 =	vand.u32 $0x7F, v1;
	v2 =	vand.u32 $0xFFFFFC00, v2  }
0x9c: {  	s1 =	sor.u32 s0, s1;
	v2 =	vor.u32 v1, v2  }
0x9d: {  	v1 =	vld [tilespmem:s1+$0x8800];
	v3 =	vadd.s32 $0x4000, v2;
	_ =	sdelay $0x4  }
0x9e: {  	[tilespmem:v3+s21+$0x0] =	vst.idx.add.f32.msk $0xffff, v1  }
0x9f: {  	v3 =	vadd.s32 $0x4080, v2;
	v1 =	vld [tilespmem:s1+$0x8880];
	_ =	sdelay $0x4  }
0xa0: {  	[tilespmem:v3+s21+$0x0] =	vst.idx.add.f32.msk $0xffff, v1  }
0xa1: {  	v3 =	vadd.s32 $0x4100, v2;
	v1 =	vld [tilespmem:s1+$0x8900];
	_ =	sdelay $0x4  }
0xa2: {  	[tilespmem:v3+s21+$0x0] =	vst.idx.add.f32.msk $0xffff, v1  }
0xa3: {  	v3 =	vadd.s32 $0x4180, v2;
	v1 =	vld [tilespmem:s1+$0x8980];
	_ =	sdelay $0x4  }
0xa4: {  	[tilespmem:v3+s21+$0x0] =	vst.idx.add.f32.msk $0xffff, v1  }
0xa5: {  	v3 =	vadd.s32 $0x4200, v2;
	v1 =	vld [tilespmem:s1+$0x8A00];
	_ =	sdelay $0x4  }
0xa6: {  	[tilespmem:v3+s21+$0x0] =	vst.idx.add.f32.msk $0xffff, v1  }
0xa7: {  	v3 =	vadd.s32 $0x4280, v2;
	v1 =	vld [tilespmem:s1+$0x8A80];
	_ =	sdelay $0x4  }
0xa8: {  	[tilespmem:v3+s21+$0x0] =	vst.idx.add.f32.msk $0xffff, v1  }
0xa9: {  	v3 =	vadd.s32 $0x4300, v2;
	v1 =	vld [tilespmem:s1+$0x8B00];
	_ =	sdelay $0x4  }
0xaa: {  	[tilespmem:v3+s21+$0x0] =	vst.idx.add.f32.msk $0xffff, v1  }
0xab: {  	s0 =	simm.s32 $0x10;
	v2 =	vadd.s32 $0x4380, v2;
	v1 =	vld [tilespmem:s1+$0x8B80];
	s1 =	simm.s32 $0x0  }
.LBB2_8:
0xac: {  	_ =	sdelay $0x3  }
0xad: {  	p0 =	sne.s32 s0, $0x7F0;
	s31 =	sadd.s32 $0x80, s31;
	s1 =	sadd.s32 $0x10, s1;
	[tilespmem:v2+s21+$0x0] =	vst.idx.add.f32.msk $0xffff, v1  }
0xae: {  	s13 =	smov.u32 s0;
	s0 =	sadd.s32 $0x10, s0;
	v1 =	vld [tilespmem:s1+$0x0];
	_ =	sdelay $0x4  }
0xaf: {  	v2 =	vshll.u32 v1, $0x3  }
0xb0: {  	s13 =	sand.u32 $0x70, s13;
	s14 =	sand.u32 $0x3C00, s31;
	v1 =	vand.u32 $0x7F, v1;
	v2 =	vand.u32 $0xFFFFFC00, v2  }
0xb1: {  	s13 =	sor.u32 s13, s14;
	v2 =	vor.u32 v1, v2  }
0xb2: {  	v1 =	vld [tilespmem:s13+$0x8800];
	v3 =	vadd.s32 $0x4000, v2;
	_ =	sdelay $0x4  }
0xb3: {  	[tilespmem:v3+s21+$0x0] =	vst.idx.add.f32.msk $0xffff, v1  }
0xb4: {  	v3 =	vadd.s32 $0x4080, v2;
	v1 =	vld [tilespmem:s13+$0x8880];
	_ =	sdelay $0x4  }
0xb5: {  	[tilespmem:v3+s21+$0x0] =	vst.idx.add.f32.msk $0xffff, v1  }
0xb6: {  	v3 =	vadd.s32 $0x4100, v2;
	v1 =	vld [tilespmem:s13+$0x8900];
	_ =	sdelay $0x4  }
0xb7: {  	[tilespmem:v3+s21+$0x0] =	vst.idx.add.f32.msk $0xffff, v1  }
0xb8: {  	v3 =	vadd.s32 $0x4180, v2;
	v1 =	vld [tilespmem:s13+$0x8980];
	_ =	sdelay $0x4  }
0xb9: {  	[tilespmem:v3+s21+$0x0] =	vst.idx.add.f32.msk $0xffff, v1  }
0xba: {  	v3 =	vadd.s32 $0x4200, v2;
	v1 =	vld [tilespmem:s13+$0x8A00];
	_ =	sdelay $0x4  }
0xbb: {  	[tilespmem:v3+s21+$0x0] =	vst.idx.add.f32.msk $0xffff, v1  }
0xbc: {  	v3 =	vadd.s32 $0x4280, v2;
	v1 =	vld [tilespmem:s13+$0x8A80];
	_ =	sdelay $0x4  }
0xbd: {  	[tilespmem:v3+s21+$0x0] =	vst.idx.add.f32.msk $0xffff, v1  }
0xbe: {  	v3 =	vadd.s32 $0x4300, v2;
	v1 =	vld [tilespmem:s13+$0x8B00];
	_ =	sdelay $0x1  }
.Ltmp3:
0xbf: {  	(pc) =	sbr.rel @p0 .LBB2_8-.Ltmp3, $3  }
0xc0: {  	_ =	sdelay $0x1  }
0xc1: {  	[tilespmem:v3+s21+$0x0] =	vst.idx.add.f32.msk $0xffff, v1  }
0xc2: {  	v2 =	vadd.s32 $0x4380, v2;
	v1 =	vld [tilespmem:s13+$0x8B80]  }
0xc3: {  	_ =	sdelay $0x3  }
0xc4: {  	s31 =	simm.s32 $0x0;
	[tilespmem:v2+s21+$0x0] =	vst.idx.add.f32.msk $0xffff, v1  }
0xc5: {  	[hbm4b:s10+s31] =	stream.linear.scatter [tilespmem:s25], [sflag:$0x5], $0x2000, $0x38;
	[tilespmem:$0x18800] =	vst v63  }
0xc6: {  	_ =	swait.ge [sflag:s26], $0x4000  }
0xc7: {  	[sflag:s26] =	ssyncset.done $0x0  }
0xc8: {  	[sflag:s26] =	ssyncadd.s32 $0xFFFFC000  }
0xc9: {  	v1 =	vld [tilespmem:s31+$0x0];
	_ =	sdelay $0x4  }
0xca: {  	v2 =	vshll.u32 v1, $0x3  }
0xcb: {  	s0 =	sand.u32 $0x70, s31;
	s1 =	sand.u32 $0x3C00, s31;
	v1 =	vand.u32 $0x7F, v1;
	v2 =	vand.u32 $0xFFFFFC00, v2  }
0xcc: {  	s1 =	sor.u32 s0, s1;
	v2 =	vor.u32 v1, v2  }
0xcd: {  	v1 =	vld [tilespmem:s1+$0xC800];
	v3 =	vadd.s32 $0x6000, v2;
	_ =	sdelay $0x4  }
0xce: {  	[tilespmem:v3+s21+$0x0] =	vst.idx.add.f32.msk $0xffff, v1  }
0xcf: {  	v3 =	vadd.s32 $0x6080, v2;
	v1 =	vld [tilespmem:s1+$0xC880];
	_ =	sdelay $0x4  }
0xd0: {  	[tilespmem:v3+s21+$0x0] =	vst.idx.add.f32.msk $0xffff, v1  }
0xd1: {  	v3 =	vadd.s32 $0x6100, v2;
	v1 =	vld [tilespmem:s1+$0xC900];
	_ =	sdelay $0x4  }
0xd2: {  	[tilespmem:v3+s21+$0x0] =	vst.idx.add.f32.msk $0xffff, v1  }
0xd3: {  	v3 =	vadd.s32 $0x6180, v2;
	v1 =	vld [tilespmem:s1+$0xC980];
	_ =	sdelay $0x4  }
0xd4: {  	[tilespmem:v3+s21+$0x0] =	vst.idx.add.f32.msk $0xffff, v1  }
0xd5: {  	v3 =	vadd.s32 $0x6200, v2;
	v1 =	vld [tilespmem:s1+$0xCA00];
	_ =	sdelay $0x4  }
0xd6: {  	[tilespmem:v3+s21+$0x0] =	vst.idx.add.f32.msk $0xffff, v1  }
0xd7: {  	v3 =	vadd.s32 $0x6280, v2;
	v1 =	vld [tilespmem:s1+$0xCA80];
	_ =	sdelay $0x4  }
0xd8: {  	[tilespmem:v3+s21+$0x0] =	vst.idx.add.f32.msk $0xffff, v1  }
0xd9: {  	v3 =	vadd.s32 $0x6300, v2;
	v1 =	vld [tilespmem:s1+$0xCB00];
	_ =	sdelay $0x4  }
0xda: {  	[tilespmem:v3+s21+$0x0] =	vst.idx.add.f32.msk $0xffff, v1  }
0xdb: {  	s0 =	simm.s32 $0x10;
	v2 =	vadd.s32 $0x6380, v2;
	v1 =	vld [tilespmem:s1+$0xCB80];
	s1 =	simm.s32 $0x0  }
.LBB2_10:
0xdc: {  	_ =	sdelay $0x3  }
0xdd: {  	p0 =	sne.s32 s0, $0x7F0;
	s31 =	sadd.s32 $0x80, s31;
	s1 =	sadd.s32 $0x10, s1;
	[tilespmem:v2+s21+$0x0] =	vst.idx.add.f32.msk $0xffff, v1  }
0xde: {  	s13 =	smov.u32 s0;
	s0 =	sadd.s32 $0x10, s0;
	v1 =	vld [tilespmem:s1+$0x0];
	_ =	sdelay $0x4  }
0xdf: {  	v2 =	vshll.u32 v1, $0x3  }
0xe0: {  	s13 =	sand.u32 $0x70, s13;
	s14 =	sand.u32 $0x3C00, s31;
	v1 =	vand.u32 $0x7F, v1;
	v2 =	vand.u32 $0xFFFFFC00, v2  }
0xe1: {  	s13 =	sor.u32 s13, s14;
	v2 =	vor.u32 v1, v2  }
0xe2: {  	v1 =	vld [tilespmem:s13+$0xC800];
	v3 =	vadd.s32 $0x6000, v2;
	_ =	sdelay $0x4  }
0xe3: {  	[tilespmem:v3+s21+$0x0] =	vst.idx.add.f32.msk $0xffff, v1  }
0xe4: {  	v3 =	vadd.s32 $0x6080, v2;
	v1 =	vld [tilespmem:s13+$0xC880];
	_ =	sdelay $0x4  }
0xe5: {  	[tilespmem:v3+s21+$0x0] =	vst.idx.add.f32.msk $0xffff, v1  }
0xe6: {  	v3 =	vadd.s32 $0x6100, v2;
	v1 =	vld [tilespmem:s13+$0xC900];
	_ =	sdelay $0x4  }
0xe7: {  	[tilespmem:v3+s21+$0x0] =	vst.idx.add.f32.msk $0xffff, v1  }
0xe8: {  	v3 =	vadd.s32 $0x6180, v2;
	v1 =	vld [tilespmem:s13+$0xC980];
	_ =	sdelay $0x4  }
0xe9: {  	[tilespmem:v3+s21+$0x0] =	vst.idx.add.f32.msk $0xffff, v1  }
0xea: {  	v3 =	vadd.s32 $0x6200, v2;
	v1 =	vld [tilespmem:s13+$0xCA00];
	_ =	sdelay $0x4  }
0xeb: {  	[tilespmem:v3+s21+$0x0] =	vst.idx.add.f32.msk $0xffff, v1  }
0xec: {  	v3 =	vadd.s32 $0x6280, v2;
	v1 =	vld [tilespmem:s13+$0xCA80];
	_ =	sdelay $0x4  }
0xed: {  	[tilespmem:v3+s21+$0x0] =	vst.idx.add.f32.msk $0xffff, v1  }
0xee: {  	v3 =	vadd.s32 $0x6300, v2;
	v1 =	vld [tilespmem:s13+$0xCB00];
	_ =	sdelay $0x1  }
.Ltmp4:
0xef: {  	(pc) =	sbr.rel @p0 .LBB2_10-.Ltmp4, $3  }
0xf0: {  	_ =	sdelay $0x1  }
0xf1: {  	[tilespmem:v3+s21+$0x0] =	vst.idx.add.f32.msk $0xffff, v1  }
0xf2: {  	v2 =	vadd.s32 $0x6380, v2;
	v1 =	vld [tilespmem:s13+$0xCB80]  }
0xf3: {  	_ =	sdelay $0x3  }
0xf4: {  	[tilespmem:v2+s21+$0x0] =	vst.idx.add.f32.msk $0xffff, v1  }
0xf5: {  	[hbm4b:s11+s2] =	stream.linear.scatter [tilespmem:s28], [sflag:$0x5], $0x2000, $0x38;
	[tilespmem:$0x18800] =	vst v63  }
0xf6: {  	_ =	swait.ge [sflag:s29], $0x2000  }
0xf7: {  	[sflag:s29] =	ssyncset.done $0x0  }
0xf8: {  	[sflag:s29] =	ssyncadd.s32 $0xFFFFE000  }
0xf9: {  	_ =	swait.ge [sflag:s29], $0x2000  }
0xfa: {  	[sflag:s29] =	ssyncset.done $0x0  }
0xfb: {  	s30 =	sadd.s32 $0x1, s30;
	[sflag:s29] =	ssyncadd.s32 $0xFFFFE000  }
0xfc: {  	p0 =	sne.s32 s30, s12;
	_ =	swait.ge [sflag:s29], $0x2000  }
.Ltmp5:
0xfd: {  	[sflag:s29] =	ssyncset.done $0x0;
	(pc) =	sbr.rel @p0 .LBB2_1-.Ltmp5, $4  }
0xfe: {  	[sflag:s29] =	ssyncadd.s32 $0xFFFFE000  }
0xff: {  	_ =	swait.ge [sflag:s29], $0x2000  }
0x100: {  	[sflag:s29] =	ssyncset.done $0x0  }
0x101: {  	[sflag:s29] =	ssyncadd.s32 $0xFFFFE000  }
0x102: {  	_ =	sfence.sel $0x180000  }
0x103: {  	[bflag:$0x0] =	sbarrier.arrive $0xFFFF  }
0x104: {  	_ =	strace $0x90000047  }
0x105: {  	s0 =	stileid.u32;
	[bflag:$0x2] =	sbarrier.arrive $0xFFFF  }
0x106: {  	p0 =	sne.s32 s0, $0x0;
	s0 =	rddreg [dreg:$0x3]  }
0x107: {  	s0 =	sadd.s32 @!p0 $0x100000, s0  }
0x108: {  	[sflag:s0] =	ssyncadd.tile.s32 @!p0 $0x1;
	_ =	shalt  }
.Lfunc_end2:
_tile_overlayer_lowered:
.L_overlay_start_2:
0x109: {  	(tag) =	ssettag $0x2  }
0x10a: {  	s0 =	rddreg [dreg:$0x0];
	s2 =	stileid.u32  }
0x10b: {  	s1 =	rddreg [dreg:$0x1];
	p0 =	sne.s32 s2, $0x0  }
0x10c: {  	s3 =	rddreg [dreg:$0x2];
	[bflag:$0x3] =	sbarrier.arrive $0xFFFF;
	s2 =	simm.s32 @!p0 $0x1C06  }
0x10d: {  	[timem:s3], [sflag:s2] =	dma.local @!p0 [hbm:s0], s1  }
0x10e: {  	s0 =	simm.s32 @!p0 $0x6  }
0x10f: {  	_ =	swait.ge @!p0 [sflag:s0], s1  }
0x110: {  	s1 =	ssub.s32 @!p0 $0x0, s1;
	[sflag:s0] =	ssyncset.done @!p0 $0x0  }
0x111: {  	[sflag:s0] =	ssyncadd.s32 @!p0 s1  }
0x112: {  	[bflag:$0x3] =	sbarrier.arrive $0xFFFF  }
0x113: {  	_ =	shalt  }

</sc_bundles>
